<compile_context>
chip_gen: v7x
topology: tpu7x:2x2x1
jax: 0.10.2.dev20260603
libtpu: 0.0.44.dev20260713+nightly
codegen_flags: <defaults>
</compile_context>

<pallas_src>
import dataclasses
import functools

import jax
import jax.numpy as jnp
from jax import lax
from jax.experimental import pallas as pl
from jax.experimental.pallas import tpu as pltpu
from jax.experimental.pallas import tpu_sc as plsc

N = 10000
E = 320000
IN_FEAT = 128
OUT_FEAT = 128
NUM_RELS = 16
NUM_BASES = 8

NC = 2
NS = 16
NHALF = N // NC
EPW = 20480
E_PAD = NS * EPW
BLK = 128
SB = 4096
NSB = EPW // SB
SBROWS = SB // BLK
NBLK = SB // BLK
HROWS = 5040
ZROWS = 40
FBLK = 18
CCAP = SB + 2 * BLK


def _transform_body(x_ref, wc_ref, w16_ref, o_ref, xt_ref):
    r = pl.program_id(0)

    @pl.when(r == 0)
    def _():
        jj = lax.broadcasted_iota(jnp.int32, (IN_FEAT, NUM_RELS), 0)
        ss = lax.broadcasted_iota(jnp.int32, (IN_FEAT, NUM_RELS), 1)
        sel_s = (jj % NUM_RELS == ss).astype(jnp.float32)
        bb = lax.broadcasted_iota(jnp.int32, (NUM_BASES, 64), 0)
        kk = lax.broadcasted_iota(jnp.int32, (NUM_BASES, 64), 1)
        sel_b = (kk % NUM_BASES == bb).astype(jnp.float32)
        tiled = jnp.dot(sel_s, jnp.dot(wc_ref[...], sel_b),
                        preferred_element_type=jnp.float32)
        j2 = lax.broadcasted_iota(jnp.int32, (IN_FEAT, 64), 0)
        k2 = lax.broadcasted_iota(jnp.int32, (IN_FEAT, 64), 1)
        mask = (j2 // NUM_RELS == k2 // NUM_BASES).astype(jnp.float32)
        t_mat = tiled * mask
        xt_ref[...] = jnp.dot(x_ref[...], t_mat,
                              preferred_element_type=jnp.float32)

    o_ref[0] = jnp.dot(xt_ref[...], w16_ref[0],
                       preferred_element_type=jnp.float32)


def _transform(x, w_comp, w16):
    return pl.pallas_call(
        _transform_body,
        grid=(NUM_RELS,),
        in_specs=[
            pl.BlockSpec((N, IN_FEAT), lambda r: (0, 0)),
            pl.BlockSpec((NUM_RELS, NUM_BASES), lambda r: (0, 0)),
            pl.BlockSpec((1, 64, OUT_FEAT), lambda r: (r, 0, 0)),
        ],
        out_specs=pl.BlockSpec((1, N, OUT_FEAT), lambda r: (r, 0, 0)),
        out_shape=jax.ShapeDtypeStruct((NUM_RELS, N, OUT_FEAT), jnp.float32),
        scratch_shapes=[pltpu.VMEM((N, 64), jnp.float32)],
    )(x, w_comp, w16)


def _sc_body(t_hbm, src_hbm, rel_hbm, dst_hbm, norm_hbm, out_hbm,
             gidx, relb, didx, normb, gc, dc, nc, gc2d, dc2d,
             rows, rows2, zbuf, hsh, sem, sem2):
    c = lax.axis_index("c")
    s = lax.axis_index("s")
    lo = c * NHALF

    @pl.loop(0, ZROWS)
    def _(i):
        for j in range(OUT_FEAT // 16):
            zbuf[i, pl.ds(j * 16, 16)] = jnp.zeros((16,), jnp.float32)

    @pl.loop(s, HROWS // ZROWS, step=NS)
    def _(b):
        pltpu.sync_copy(zbuf, hsh.at[pl.ds(b * ZROWS, ZROWS)])

    plsc.subcore_barrier()

    @pl.loop(0, NSB)
    def _(sb):
        base = s * EPW + sb * SB
        pltpu.sync_copy(src_hbm.at[s, pl.ds(sb * SBROWS, SBROWS)], gidx)
        pltpu.sync_copy(rel_hbm.at[s, pl.ds(sb * SBROWS, SBROWS)], relb)
        pltpu.sync_copy(dst_hbm.at[s, pl.ds(sb * SBROWS, SBROWS)], didx)
        pltpu.sync_copy(norm_hbm.at[pl.ds(base, SB)], normb)

        @pl.loop(0, CCAP // 16)
        def _(k):
            sl = pl.ds(k * 16, 16)
            gc[sl] = jnp.arange(16, dtype=jnp.int32) + (k * 16)
            dc[sl] = jnp.zeros((16,), jnp.int32) + (NHALF + s)
            nc[sl] = jnp.zeros((16,), jnp.float32)

        def compact_group(t, off):
            row = t // (BLK // 16)
            sl = pl.ds((t % (BLK // 16)) * 16, 16)
            s16 = gidx[row, sl]
            r16 = relb[row, sl]
            d16 = didx[row, sl]
            n16 = normb[pl.ds(t * 16, 16)]
            dl = d16 - lo
            m = (dl >= 0) & (dl < NHALF)
            plsc.store_compressed(gc.at[pl.ds(off, 16)], r16 * N + s16, mask=m)
            plsc.store_compressed(dc.at[pl.ds(off, 16)], dl, mask=m)
            plsc.store_compressed(nc.at[pl.ds(off, 16)], n16, mask=m)
            return off + jnp.sum(m.astype(jnp.int32))

        off = lax.fori_loop(0, SB // 16, compact_group, jnp.int32(0))

        def copy_2d(lo_b, hi_b):
            @pl.loop(lo_b, hi_b)
            def _(b):
                for j in range(BLK // 16):
                    sl = pl.ds(j * 16, 16)
                    gc2d[b, sl] = gc[pl.ds(b * BLK + j * 16, 16)]
                    dc2d[b, sl] = dc[pl.ds(b * BLK + j * 16, 16)]

        def gather_start(g, buf, sm):
            pltpu.make_async_copy(t_hbm.at[gc2d.at[g]], buf, sm).start()

        def gather_wait(g, buf, sm):
            pltpu.make_async_copy(t_hbm.at[gc2d.at[g]], buf, sm).wait()

        def scale_scatter(g, buf):
            @pl.loop(0, BLK)
            def _(i):
                nb = plsc.load_gather(
                    nc, [jnp.zeros((16,), jnp.int32) + (g * BLK + i)])
                for j in range(OUT_FEAT // 16):
                    sl = pl.ds(j * 16, 16)
                    buf[i, sl] = buf[i, sl] * nb

            pltpu.sync_copy(buf, hsh.at[dc2d.at[g]], add=True)

        def run_blocks(lo_b, hi_b):
            gather_start(lo_b, rows, sem)

            @pl.loop(lo_b, hi_b, step=2)
            def _(g):
                gather_start(g + 1, rows2, sem2)
                gather_wait(g, rows, sem)
                scale_scatter(g, rows)

                @pl.when(g + 2 < hi_b)
                def _():
                    gather_start(g + 2, rows, sem)

                gather_wait(g + 1, rows2, sem2)
                scale_scatter(g + 1, rows2)

        copy_2d(0, FBLK)
        run_blocks(0, FBLK)

        @pl.when(off > FBLK * BLK)
        def _():
            copy_2d(FBLK, CCAP // BLK)
            run_blocks(FBLK, CCAP // BLK)

    plsc.subcore_barrier()

    @pl.loop(s, NHALF // ZROWS, step=NS)
    def _(b):
        pltpu.sync_copy(hsh.at[pl.ds(b * ZROWS, ZROWS)], zbuf)
        pltpu.sync_copy(zbuf, out_hbm.at[pl.ds(lo + b * ZROWS, ZROWS)])


def _sc_aggregate(t_flat, src3, rel3, dst3, norm_flat):
    mesh = plsc.VectorSubcoreMesh(core_axis_name="c", subcore_axis_name="s")
    cp = pltpu.CompilerParams()
    if "needs_layout_passes" in pltpu.CompilerParams.__dataclass_fields__:
        cp = dataclasses.replace(cp, needs_layout_passes=False)
    kern = pl.kernel(
        _sc_body,
        out_type=jax.ShapeDtypeStruct((N, OUT_FEAT), jnp.float32),
        mesh=mesh,
        scratch_types=[
            pltpu.VMEM((SBROWS, BLK), jnp.int32),
            pltpu.VMEM((SBROWS, BLK), jnp.int32),
            pltpu.VMEM((SBROWS, BLK), jnp.int32),
            pltpu.VMEM((SB,), jnp.float32),
            pltpu.VMEM((SB + 2 * BLK,), jnp.int32),
            pltpu.VMEM((SB + 2 * BLK,), jnp.int32),
            pltpu.VMEM((SB + 2 * BLK,), jnp.float32),
            pltpu.VMEM((SBROWS + 2, BLK), jnp.int32),
            pltpu.VMEM((SBROWS + 2, BLK), jnp.int32),
            pltpu.VMEM((BLK, OUT_FEAT), jnp.float32),
            pltpu.VMEM((BLK, OUT_FEAT), jnp.float32),
            pltpu.VMEM((ZROWS, OUT_FEAT), jnp.float32),
            pltpu.VMEM_SHARED((HROWS, OUT_FEAT), jnp.float32),
            pltpu.SemaphoreType.DMA,
            pltpu.SemaphoreType.DMA,
        ],
        compiler_params=cp,
    )
    return kern(t_flat, src3, rel3, dst3, norm_flat)


def kernel(x, edge_index, rel_type, norm, weight, w_comp):
    w16 = weight.reshape(NUM_RELS, 64, OUT_FEAT)
    t = _transform(x, w_comp, w16)
    t_flat = t.reshape(NUM_RELS * N, OUT_FEAT)

    pad = E_PAD - E
    src = jnp.concatenate([edge_index[0], jnp.zeros((pad,), jnp.int32)])
    dst = jnp.concatenate([edge_index[1], jnp.zeros((pad,), jnp.int32)])
    rel = jnp.concatenate([rel_type, jnp.zeros((pad,), jnp.int32)])
    nrm = jnp.concatenate([norm[:, 0], jnp.zeros((pad,), jnp.float32)])

    src3 = src.reshape(NS, EPW // BLK, BLK)
    rel3 = rel.reshape(NS, EPW // BLK, BLK)
    dst3 = dst.reshape(NS, EPW // BLK, BLK)

    return _sc_aggregate(t_flat, src3, rel3, dst3, nrm)

# --- scband reference (transcript-rebuilt; emitter-appended) ---
"""Pipeline reference for scband-rgcnlayer-33629593928007 (READ-ONLY COPY).

The authoritative reference and input builder live on the scoring server;
editing this copy changes nothing except your own understanding.
"""

import jax, jax.numpy as jnp
import numpy as np

N = 10000
E = 320000
IN_FEAT = 128
OUT_FEAT = 128
NUM_RELS = 16
NUM_BASES = 8


def setup_inputs(seed: int = 0) -> dict:
    key = jax.random.key(seed)
    k1, k2, k3, k4, k5, k6 = jax.random.split(key, 6)
    x = jax.random.normal(k1, (N, IN_FEAT), dtype=jnp.float32)
    edge_index = jax.random.randint(k2, (2, E), 0, N, dtype=jnp.int32)
    rel_type = jax.random.randint(k3, (E,), 0, NUM_RELS, dtype=jnp.int32)
    norm = jax.random.uniform(k4, (E, 1), dtype=jnp.float32)
    # learned parameters (xavier-ish scale)
    weight = jax.random.normal(k5, (NUM_BASES, IN_FEAT, OUT_FEAT), dtype=jnp.float32) * 0.05
    w_comp = jax.random.normal(k6, (NUM_RELS, NUM_BASES), dtype=jnp.float32) * 0.3
    return {"x": x, "edge_index": edge_index, "rel_type": rel_type, "norm": norm, "weight": weight, "w_comp": w_comp}


def reference(x, edge_index, rel_type, norm, weight, w_comp):
    # basis decomposition: view(in, bases, out), matmul(w_comp, .), view(rels, in, out)
    w = weight.reshape(IN_FEAT, NUM_BASES, OUT_FEAT)
    W = jnp.matmul(w_comp, w).reshape(NUM_RELS, IN_FEAT, OUT_FEAT)
    src = edge_index[0]
    dst = edge_index[1]
    # equivalent to per-edge bmm: msg_e = x[src_e] @ W[rel_e]
    # computed as all-relation transform then (rel, src) gather to avoid [E, in, out] blowup
    transformed = jnp.einsum('ni,rio->rno', x, W)  # [R, N, OUT]
    msg = transformed[rel_type, src]               # gather [E, OUT]
    msg = msg * norm                               # per-edge normalization
    # fn.sum(msg='msg', out='h') -> scatter-add over destination nodes
    h = jax.ops.segment_sum(msg, dst, num_segments=N)
    # bias=None, activation=None in this config -> identity apply_func
    return h

if __name__ == "__main__":
    import jax
    _d = setup_inputs()
    print(jax.jit(kernel)(*tuple(_d.values())))

</pallas_src>

<mosaic_0001>
#map = affine_map<(d0, d1) -> (0, 0)>
#map1 = affine_map<(d0, d1) -> (0, 0, 0)>
#map2 = affine_map<(d0, d1) -> (0)>
module attributes {stable_mosaic.version = 14 : i64} {
  func.func @_sc_body(%arg0: i32, %arg1: i32, %arg2: memref<160000x128xf32, #tpu.memory_space<hbm>>, %arg3: memref<16x160x128xi32, #tpu.memory_space<hbm>>, %arg4: memref<16x160x128xi32, #tpu.memory_space<hbm>>, %arg5: memref<16x160x128xi32, #tpu.memory_space<hbm>>, %arg6: memref<327680xf32, #tpu.memory_space<hbm>>, %arg7: memref<10000x128xf32, #tpu.memory_space<hbm>>, %arg8: memref<32x128xi32, #tpu.memory_space<vmem>>, %arg9: memref<32x128xi32, #tpu.memory_space<vmem>>, %arg10: memref<32x128xi32, #tpu.memory_space<vmem>>, %arg11: memref<4096xf32, #tpu.memory_space<vmem>>, %arg12: memref<4352xi32, #tpu.memory_space<vmem>>, %arg13: memref<4352xi32, #tpu.memory_space<vmem>>, %arg14: memref<4352xf32, #tpu.memory_space<vmem>>, %arg15: memref<34x128xi32, #tpu.memory_space<vmem>>, %arg16: memref<34x128xi32, #tpu.memory_space<vmem>>, %arg17: memref<128x128xf32, #tpu.memory_space<vmem>>, %arg18: memref<128x128xf32, #tpu.memory_space<vmem>>, %arg19: memref<40x128xf32, #tpu.memory_space<vmem>>, %arg20: memref<5040x128xf32, #tpu.memory_space<vmem_shared>>, %arg21: memref<!tpu.dma_semaphore, #tpu.memory_space<semaphore_mem>>, %arg22: memref<!tpu.dma_semaphore, #tpu.memory_space<semaphore_mem>>) attributes {dimension_semantics = [#tpu.dimension_semantics<core_parallel>, #tpu.dimension_semantics<subcore_parallel>], iteration_bounds = array<i64: 2, 16>, scalar_prefetch = 0 : i64, scratch_operands = 15 : i64, tpu.core_type = #tpu.core_type<sc_vector_subcore>, window_params = [{transform_indices = #map}, {transform_indices = #map1}, {transform_indices = #map1}, {transform_indices = #map1}, {transform_indices = #map2}, {transform_indices = #map}]} {
    %mul3A = arith.constant 5000 : i32
    %mul3A_0 = arith.muli %arg0, %mul3A : i32
    %scan3A = arith.constant 0 : i32
    %scan3A_1 = arith.constant 40 : i32
    %scan3A_2 = arith.addi %scan3A, %scan3A_1 : i32
    %scan3A_3 = arith.constant 1 : i32
    scf.for %scan3A_43 = %scan3A to %scan3A_2 step %scan3A_3  : i32 {
      %mul3A_44 = arith.constant 1 : i32
      %mul3A_45 = arith.muli %scan3A_43, %mul3A_44 : i32
      %add3A_46 = arith.constant 0 : i32
      %add3A_47 = arith.addi %add3A_46, %mul3A_45 : i32
      %broadcast_in_dim3A = arith.constant 0.000000e+00 : f32
      %broadcast_in_dim3A_48 = vector.broadcast %broadcast_in_dim3A : f32 to vector<16xf32>
      %swap3A = arith.index_cast %add3A_47 : i32 to index
      %swap3A_49 = arith.constant 0 : index
      %swap3A_50 = tpu.vector_load %arg19[%swap3A, %swap3A_49] {strides = array<i32>} : memref<40x128xf32, #tpu.memory_space<vmem>>, vector<16xf32>,
      tpu.vector_store %arg19[%swap3A, %swap3A_49], %broadcast_in_dim3A_48 {strides = array<i32>} : memref<40x128xf32, #tpu.memory_space<vmem>>, vector<16xf32>,
      %broadcast_in_dim3A_51 = arith.constant 0.000000e+00 : f32
      %broadcast_in_dim3A_52 = vector.broadcast %broadcast_in_dim3A_51 : f32 to vector<16xf32>
      %swap3A_53 = arith.index_cast %add3A_47 : i32 to index
      %swap3A_54 = arith.constant 16 : index
      %swap3A_55 = tpu.vector_load %arg19[%swap3A_53, %swap3A_54] {strides = array<i32>} : memref<40x128xf32, #tpu.memory_space<vmem>>, vector<16xf32>,
      tpu.vector_store %arg19[%swap3A_53, %swap3A_54], %broadcast_in_dim3A_52 {strides = array<i32>} : memref<40x128xf32, #tpu.memory_space<vmem>>, vector<16xf32>,
      %broadcast_in_dim3A_56 = arith.constant 0.000000e+00 : f32
      %broadcast_in_dim3A_57 = vector.broadcast %broadcast_in_dim3A_56 : f32 to vector<16xf32>
      %swap3A_58 = arith.index_cast %add3A_47 : i32 to index
      %swap3A_59 = arith.constant 32 : index
      %swap3A_60 = tpu.vector_load %arg19[%swap3A_58, %swap3A_59] {strides = array<i32>} : memref<40x128xf32, #tpu.memory_space<vmem>>, vector<16xf32>,
      tpu.vector_store %arg19[%swap3A_58, %swap3A_59], %broadcast_in_dim3A_57 {strides = array<i32>} : memref<40x128xf32, #tpu.memory_space<vmem>>, vector<16xf32>,
      %broadcast_in_dim3A_61 = arith.constant 0.000000e+00 : f32
      %broadcast_in_dim3A_62 = vector.broadcast %broadcast_in_dim3A_61 : f32 to vector<16xf32>
      %swap3A_63 = arith.index_cast %add3A_47 : i32 to index
      %swap3A_64 = arith.constant 48 : index
      %swap3A_65 = tpu.vector_load %arg19[%swap3A_63, %swap3A_64] {strides = array<i32>} : memref<40x128xf32, #tpu.memory_space<vmem>>, vector<16xf32>,
      tpu.vector_store %arg19[%swap3A_63, %swap3A_64], %broadcast_in_dim3A_62 {strides = array<i32>} : memref<40x128xf32, #tpu.memory_space<vmem>>, vector<16xf32>,
      %broadcast_in_dim3A_66 = arith.constant 0.000000e+00 : f32
      %broadcast_in_dim3A_67 = vector.broadcast %broadcast_in_dim3A_66 : f32 to vector<16xf32>
      %swap3A_68 = arith.index_cast %add3A_47 : i32 to index
      %swap3A_69 = arith.constant 64 : index
      %swap3A_70 = tpu.vector_load %arg19[%swap3A_68, %swap3A_69] {strides = array<i32>} : memref<40x128xf32, #tpu.memory_space<vmem>>, vector<16xf32>,
      tpu.vector_store %arg19[%swap3A_68, %swap3A_69], %broadcast_in_dim3A_67 {strides = array<i32>} : memref<40x128xf32, #tpu.memory_space<vmem>>, vector<16xf32>,
      %broadcast_in_dim3A_71 = arith.constant 0.000000e+00 : f32
      %broadcast_in_dim3A_72 = vector.broadcast %broadcast_in_dim3A_71 : f32 to vector<16xf32>
      %swap3A_73 = arith.index_cast %add3A_47 : i32 to index
      %swap3A_74 = arith.constant 80 : index
      %swap3A_75 = tpu.vector_load %arg19[%swap3A_73, %swap3A_74] {strides = array<i32>} : memref<40x128xf32, #tpu.memory_space<vmem>>, vector<16xf32>,
      tpu.vector_store %arg19[%swap3A_73, %swap3A_74], %broadcast_in_dim3A_72 {strides = array<i32>} : memref<40x128xf32, #tpu.memory_space<vmem>>, vector<16xf32>,
      %broadcast_in_dim3A_76 = arith.constant 0.000000e+00 : f32
      %broadcast_in_dim3A_77 = vector.broadcast %broadcast_in_dim3A_76 : f32 to vector<16xf32>
      %swap3A_78 = arith.index_cast %add3A_47 : i32 to index
      %swap3A_79 = arith.constant 96 : index
      %swap3A_80 = tpu.vector_load %arg19[%swap3A_78, %swap3A_79] {strides = array<i32>} : memref<40x128xf32, #tpu.memory_space<vmem>>, vector<16xf32>,
      tpu.vector_store %arg19[%swap3A_78, %swap3A_79], %broadcast_in_dim3A_77 {strides = array<i32>} : memref<40x128xf32, #tpu.memory_space<vmem>>, vector<16xf32>,
      %broadcast_in_dim3A_81 = arith.constant 0.000000e+00 : f32
      %broadcast_in_dim3A_82 = vector.broadcast %broadcast_in_dim3A_81 : f32 to vector<16xf32>
      %swap3A_83 = arith.index_cast %add3A_47 : i32 to index
      %swap3A_84 = arith.constant 112 : index
      %swap3A_85 = tpu.vector_load %arg19[%swap3A_83, %swap3A_84] {strides = array<i32>} : memref<40x128xf32, #tpu.memory_space<vmem>>, vector<16xf32>,
      tpu.vector_store %arg19[%swap3A_83, %swap3A_84], %broadcast_in_dim3A_82 {strides = array<i32>} : memref<40x128xf32, #tpu.memory_space<vmem>>, vector<16xf32>,
    }
    %scan3A_4 = arith.constant 40 : i32
    %sub3A = arith.constant 126 : i32
    %sub3A_5 = arith.subi %sub3A, %arg1 : i32
    %sub3A_6 = arith.constant 16 : i32
    %sub3A_7 = arith.constant 1 : i32
    %sub3A_8 = arith.subi %sub3A_6, %sub3A_7 : i32
    %add3A = arith.addi %sub3A_5, %sub3A_8 : i32
    %div3A = arith.constant 16 : i32
    %div3A_9 = arith.divsi %add3A, %div3A : i32
    %while3A = arith.constant 16 : i32
    %while3A_10 = arith.constant 0 : i32
    %while3A_11 = arith.subi %div3A_9, %while3A_10 : i32
    %while3A_12 = arith.addi %while3A_10, %while3A_11 : i32
    %while3A_13 = arith.constant 1 : i32
    %while3A_14 = arith.divsi %while3A_11, %while3A_13 : i32
    %while3A_15 = arith.muli %while3A_14, %while3A_13 : i32
    %while3A_16 = arith.addi %while3A_10, %while3A_15 : i32
    %while3A_17 = arith.constant 1 : i32
    scf.for %while3A_43 = %while3A_10 to %while3A_16 step %while3A_17  : i32 {
      %mul3A_44 = arith.muli %while3A_43, %while3A : i32
      %add3A_45 = arith.addi %arg1, %mul3A_44 : i32
      %mul3A_46 = arith.constant 40 : i32
      %mul3A_47 = arith.muli %add3A_45, %mul3A_46 : i32
      "tpu.region"() ({
        %run_scoped3A = tpu.sem_alloc : memref<!tpu.dma_semaphore, #tpu.memory_space<semaphore_mem>>
        %dma_start3A = arith.constant 0 : i32
        %dma_start3A_48 = tpu.memref_slice %arg20[%mul3A_47, %dma_start3A] : memref<5040x128xf32, #tpu.memory_space<vmem_shared>> -> memref<40x128xf32, #tpu.memory_space<vmem_shared>>
        %dma_start3A_49 = arith.constant 0 : i32
        %dma_start3A_50 = tpu.memref_slice %arg20[%mul3A_47, %dma_start3A_49] : memref<5040x128xf32, #tpu.memory_space<vmem_shared>> -> memref<40x128xf32, #tpu.memory_space<vmem_shared>>
        tpu.enqueue_dma source(%arg19 : memref<40x128xf32, #tpu.memory_space<vmem>>) target(%dma_start3A_50 : memref<40x128xf32, #tpu.memory_space<vmem_shared>>) target_semaphore(%run_scoped3A : memref<!tpu.dma_semaphore, #tpu.memory_space<semaphore_mem>>)
        %dma_wait3A = arith.constant 0 : i32
        %dma_wait3A_51 = tpu.memref_slice %arg20[%mul3A_47, %dma_wait3A] : memref<5040x128xf32, #tpu.memory_space<vmem_shared>> -> memref<40x128xf32, #tpu.memory_space<vmem_shared>>
        %dma_wait3A_52 = arith.constant 0 : i32
        %dma_wait3A_53 = tpu.memref_slice %arg20[%mul3A_47, %dma_wait3A_52] : memref<5040x128xf32, #tpu.memory_space<vmem_shared>> -> memref<40x128xf32, #tpu.memory_space<vmem_shared>>
        tpu.wait_dma2 semaphore(%run_scoped3A : memref<!tpu.dma_semaphore, #tpu.memory_space<semaphore_mem>>) src(%arg19 : memref<40x128xf32, #tpu.memory_space<vmem>>) dst(%dma_wait3A_53 : memref<40x128xf32, #tpu.memory_space<vmem_shared>>)
        tpu.yield
      }) : () -> ()
    }
    %while3A_18 = arith.constant 1 : i32
    scf.for %while3A_43 = %while3A_16 to %while3A_12 step %while3A_18  : i32 {
      %mul3A_44 = arith.muli %while3A_43, %while3A : i32
      %add3A_45 = arith.addi %arg1, %mul3A_44 : i32
      %mul3A_46 = arith.constant 40 : i32
      %mul3A_47 = arith.muli %add3A_45, %mul3A_46 : i32
      "tpu.region"() ({
        %run_scoped3A = tpu.sem_alloc : memref<!tpu.dma_semaphore, #tpu.memory_space<semaphore_mem>>
        %dma_start3A = arith.constant 0 : i32
        %dma_start3A_48 = tpu.memref_slice %arg20[%mul3A_47, %dma_start3A] : memref<5040x128xf32, #tpu.memory_space<vmem_shared>> -> memref<40x128xf32, #tpu.memory_space<vmem_shared>>
        %dma_start3A_49 = arith.constant 0 : i32
        %dma_start3A_50 = tpu.memref_slice %arg20[%mul3A_47, %dma_start3A_49] : memref<5040x128xf32, #tpu.memory_space<vmem_shared>> -> memref<40x128xf32, #tpu.memory_space<vmem_shared>>
        tpu.enqueue_dma source(%arg19 : memref<40x128xf32, #tpu.memory_space<vmem>>) target(%dma_start3A_50 : memref<40x128xf32, #tpu.memory_space<vmem_shared>>) target_semaphore(%run_scoped3A : memref<!tpu.dma_semaphore, #tpu.memory_space<semaphore_mem>>)
        %dma_wait3A = arith.constant 0 : i32
        %dma_wait3A_51 = tpu.memref_slice %arg20[%mul3A_47, %dma_wait3A] : memref<5040x128xf32, #tpu.memory_space<vmem_shared>> -> memref<40x128xf32, #tpu.memory_space<vmem_shared>>
        %dma_wait3A_52 = arith.constant 0 : i32
        %dma_wait3A_53 = tpu.memref_slice %arg20[%mul3A_47, %dma_wait3A_52] : memref<5040x128xf32, #tpu.memory_space<vmem_shared>> -> memref<40x128xf32, #tpu.memory_space<vmem_shared>>
        tpu.wait_dma2 semaphore(%run_scoped3A : memref<!tpu.dma_semaphore, #tpu.memory_space<semaphore_mem>>) src(%arg19 : memref<40x128xf32, #tpu.memory_space<vmem>>) dst(%dma_wait3A_53 : memref<40x128xf32, #tpu.memory_space<vmem_shared>>)
        tpu.yield
      }) : () -> ()
    }
    %barrier3A = arith.constant 0 : index
    tpu.barrier barrier_id(%barrier3A)
    %scan3A_19 = arith.constant 0 : i32
    %scan3A_20 = arith.constant 5 : i32
    %scan3A_21 = arith.addi %scan3A_19, %scan3A_20 : i32
    %scan3A_22 = arith.constant 1 : i32
    scf.for %scan3A_43 = %scan3A_19 to %scan3A_21 step %scan3A_22  : i32 {
      %mul3A_44 = arith.constant 1 : i32
      %mul3A_45 = arith.muli %scan3A_43, %mul3A_44 : i32
      %add3A_46 = arith.constant 0 : i32
      %add3A_47 = arith.addi %add3A_46, %mul3A_45 : i32
      %mul3A_48 = arith.constant 20480 : i32
      %mul3A_49 = arith.muli %arg1, %mul3A_48 : i32
      %mul3A_50 = arith.constant 4096 : i32
      %mul3A_51 = arith.muli %add3A_47, %mul3A_50 : i32
      %add3A_52 = arith.addi %mul3A_49, %mul3A_51 : i32
      %mul3A_53 = arith.constant 32 : i32
      %mul3A_54 = arith.muli %add3A_47, %mul3A_53 : i32
      "tpu.region"() ({
        %run_scoped3A = tpu.sem_alloc : memref<!tpu.dma_semaphore, #tpu.memory_space<semaphore_mem>>
        %dma_start3A_89 = arith.constant 0 : i32
        %dma_start3A_90 = tpu.memref_slice %arg3[%arg1, %mul3A_54, %dma_start3A_89] : memref<16x160x128xi32, #tpu.memory_space<hbm>> -> memref<1x32x128xi32, #tpu.memory_space<hbm>>
        %dma_start3A_91 = tpu.memref_squeeze %dma_start3A_90 : memref<1x32x128xi32, #tpu.memory_space<hbm>> -> memref<32x128xi32, #tpu.memory_space<hbm>>
        %dma_start3A_92 = arith.constant 0 : i32
        %dma_start3A_93 = tpu.memref_slice %arg3[%arg1, %mul3A_54, %dma_start3A_92] : memref<16x160x128xi32, #tpu.memory_space<hbm>> -> memref<1x32x128xi32, #tpu.memory_space<hbm>>
        %dma_start3A_94 = tpu.memref_squeeze %dma_start3A_93 : memref<1x32x128xi32, #tpu.memory_space<hbm>> -> memref<32x128xi32, #tpu.memory_space<hbm>>
        tpu.enqueue_dma source(%dma_start3A_94 : memref<32x128xi32, #tpu.memory_space<hbm>>) target(%arg8 : memref<32x128xi32, #tpu.memory_space<vmem>>) target_semaphore(%run_scoped3A : memref<!tpu.dma_semaphore, #tpu.memory_space<semaphore_mem>>)
        %dma_wait3A = arith.constant 0 : i32
        %dma_wait3A_95 = tpu.memref_slice %arg3[%arg1, %mul3A_54, %dma_wait3A] : memref<16x160x128xi32, #tpu.memory_space<hbm>> -> memref<1x32x128xi32, #tpu.memory_space<hbm>>
        %dma_wait3A_96 = tpu.memref_squeeze %dma_wait3A_95 : memref<1x32x128xi32, #tpu.memory_space<hbm>> -> memref<32x128xi32, #tpu.memory_space<hbm>>
        %dma_wait3A_97 = arith.constant 0 : i32
        %dma_wait3A_98 = tpu.memref_slice %arg3[%arg1, %mul3A_54, %dma_wait3A_97] : memref<16x160x128xi32, #tpu.memory_space<hbm>> -> memref<1x32x128xi32, #tpu.memory_space<hbm>>
        %dma_wait3A_99 = tpu.memref_squeeze %dma_wait3A_98 : memref<1x32x128xi32, #tpu.memory_space<hbm>> -> memref<32x128xi32, #tpu.memory_space<hbm>>
        tpu.wait_dma2 semaphore(%run_scoped3A : memref<!tpu.dma_semaphore, #tpu.memory_space<semaphore_mem>>) src(%dma_wait3A_99 : memref<32x128xi32, #tpu.memory_space<hbm>>) dst(%arg8 : memref<32x128xi32, #tpu.memory_space<vmem>>)
        tpu.yield
      }) : () -> ()
      %mul3A_55 = arith.constant 32 : i32
      %mul3A_56 = arith.muli %add3A_47, %mul3A_55 : i32
      "tpu.region"() ({
        %run_scoped3A = tpu.sem_alloc : memref<!tpu.dma_semaphore, #tpu.memory_space<semaphore_mem>>
        %dma_start3A_89 = arith.constant 0 : i32
        %dma_start3A_90 = tpu.memref_slice %arg4[%arg1, %mul3A_56, %dma_start3A_89] : memref<16x160x128xi32, #tpu.memory_space<hbm>> -> memref<1x32x128xi32, #tpu.memory_space<hbm>>
        %dma_start3A_91 = tpu.memref_squeeze %dma_start3A_90 : memref<1x32x128xi32, #tpu.memory_space<hbm>> -> memref<32x128xi32, #tpu.memory_space<hbm>>
        %dma_start3A_92 = arith.constant 0 : i32
        %dma_start3A_93 = tpu.memref_slice %arg4[%arg1, %mul3A_56, %dma_start3A_92] : memref<16x160x128xi32, #tpu.memory_space<hbm>> -> memref<1x32x128xi32, #tpu.memory_space<hbm>>
        %dma_start3A_94 = tpu.memref_squeeze %dma_start3A_93 : memref<1x32x128xi32, #tpu.memory_space<hbm>> -> memref<32x128xi32, #tpu.memory_space<hbm>>
        tpu.enqueue_dma source(%dma_start3A_94 : memref<32x128xi32, #tpu.memory_space<hbm>>) target(%arg9 : memref<32x128xi32, #tpu.memory_space<vmem>>) target_semaphore(%run_scoped3A : memref<!tpu.dma_semaphore, #tpu.memory_space<semaphore_mem>>)
        %dma_wait3A = arith.constant 0 : i32
        %dma_wait3A_95 = tpu.memref_slice %arg4[%arg1, %mul3A_56, %dma_wait3A] : memref<16x160x128xi32, #tpu.memory_space<hbm>> -> memref<1x32x128xi32, #tpu.memory_space<hbm>>
        %dma_wait3A_96 = tpu.memref_squeeze %dma_wait3A_95 : memref<1x32x128xi32, #tpu.memory_space<hbm>> -> memref<32x128xi32, #tpu.memory_space<hbm>>
        %dma_wait3A_97 = arith.constant 0 : i32
        %dma_wait3A_98 = tpu.memref_slice %arg4[%arg1, %mul3A_56, %dma_wait3A_97] : memref<16x160x128xi32, #tpu.memory_space<hbm>> -> memref<1x32x128xi32, #tpu.memory_space<hbm>>
        %dma_wait3A_99 = tpu.memref_squeeze %dma_wait3A_98 : memref<1x32x128xi32, #tpu.memory_space<hbm>> -> memref<32x128xi32, #tpu.memory_space<hbm>>
        tpu.wait_dma2 semaphore(%run_scoped3A : memref<!tpu.dma_semaphore, #tpu.memory_space<semaphore_mem>>) src(%dma_wait3A_99 : memref<32x128xi32, #tpu.memory_space<hbm>>) dst(%arg9 : memref<32x128xi32, #tpu.memory_space<vmem>>)
        tpu.yield
      }) : () -> ()
      %mul3A_57 = arith.constant 32 : i32
      %mul3A_58 = arith.muli %add3A_47, %mul3A_57 : i32
      "tpu.region"() ({
        %run_scoped3A = tpu.sem_alloc : memref<!tpu.dma_semaphore, #tpu.memory_space<semaphore_mem>>
        %dma_start3A_89 = arith.constant 0 : i32
        %dma_start3A_90 = tpu.memref_slice %arg5[%arg1, %mul3A_58, %dma_start3A_89] : memref<16x160x128xi32, #tpu.memory_space<hbm>> -> memref<1x32x128xi32, #tpu.memory_space<hbm>>
        %dma_start3A_91 = tpu.memref_squeeze %dma_start3A_90 : memref<1x32x128xi32, #tpu.memory_space<hbm>> -> memref<32x128xi32, #tpu.memory_space<hbm>>
        %dma_start3A_92 = arith.constant 0 : i32
        %dma_start3A_93 = tpu.memref_slice %arg5[%arg1, %mul3A_58, %dma_start3A_92] : memref<16x160x128xi32, #tpu.memory_space<hbm>> -> memref<1x32x128xi32, #tpu.memory_space<hbm>>
        %dma_start3A_94 = tpu.memref_squeeze %dma_start3A_93 : memref<1x32x128xi32, #tpu.memory_space<hbm>> -> memref<32x128xi32, #tpu.memory_space<hbm>>
        tpu.enqueue_dma source(%dma_start3A_94 : memref<32x128xi32, #tpu.memory_space<hbm>>) target(%arg10 : memref<32x128xi32, #tpu.memory_space<vmem>>) target_semaphore(%run_scoped3A : memref<!tpu.dma_semaphore, #tpu.memory_space<semaphore_mem>>)
        %dma_wait3A = arith.constant 0 : i32
        %dma_wait3A_95 = tpu.memref_slice %arg5[%arg1, %mul3A_58, %dma_wait3A] : memref<16x160x128xi32, #tpu.memory_space<hbm>> -> memref<1x32x128xi32, #tpu.memory_space<hbm>>
        %dma_wait3A_96 = tpu.memref_squeeze %dma_wait3A_95 : memref<1x32x128xi32, #tpu.memory_space<hbm>> -> memref<32x128xi32, #tpu.memory_space<hbm>>
        %dma_wait3A_97 = arith.constant 0 : i32
        %dma_wait3A_98 = tpu.memref_slice %arg5[%arg1, %mul3A_58, %dma_wait3A_97] : memref<16x160x128xi32, #tpu.memory_space<hbm>> -> memref<1x32x128xi32, #tpu.memory_space<hbm>>
        %dma_wait3A_99 = tpu.memref_squeeze %dma_wait3A_98 : memref<1x32x128xi32, #tpu.memory_space<hbm>> -> memref<32x128xi32, #tpu.memory_space<hbm>>
        tpu.wait_dma2 semaphore(%run_scoped3A : memref<!tpu.dma_semaphore, #tpu.memory_space<semaphore_mem>>) src(%dma_wait3A_99 : memref<32x128xi32, #tpu.memory_space<hbm>>) dst(%arg10 : memref<32x128xi32, #tpu.memory_space<vmem>>)
        tpu.yield
      }) : () -> ()
      "tpu.region"() ({
        %run_scoped3A = tpu.sem_alloc : memref<!tpu.dma_semaphore, #tpu.memory_space<semaphore_mem>>
        %dma_start3A_89 = tpu.memref_slice %arg6[%add3A_52] : memref<327680xf32, #tpu.memory_space<hbm>> -> memref<4096xf32, #tpu.memory_space<hbm>>
        %dma_start3A_90 = tpu.memref_slice %arg6[%add3A_52] : memref<327680xf32, #tpu.memory_space<hbm>> -> memref<4096xf32, #tpu.memory_space<hbm>>
        tpu.enqueue_dma source(%dma_start3A_90 : memref<4096xf32, #tpu.memory_space<hbm>>) target(%arg11 : memref<4096xf32, #tpu.memory_space<vmem>>) target_semaphore(%run_scoped3A : memref<!tpu.dma_semaphore, #tpu.memory_space<semaphore_mem>>)
        %dma_wait3A = tpu.memref_slice %arg6[%add3A_52] : memref<327680xf32, #tpu.memory_space<hbm>> -> memref<4096xf32, #tpu.memory_space<hbm>>
        %dma_wait3A_91 = tpu.memref_slice %arg6[%add3A_52] : memref<327680xf32, #tpu.memory_space<hbm>> -> memref<4096xf32, #tpu.memory_space<hbm>>
        tpu.wait_dma2 semaphore(%run_scoped3A : memref<!tpu.dma_semaphore, #tpu.memory_space<semaphore_mem>>) src(%dma_wait3A_91 : memref<4096xf32, #tpu.memory_space<hbm>>) dst(%arg11 : memref<4096xf32, #tpu.memory_space<vmem>>)
        tpu.yield
      }) : () -> ()
      %scan3A_59 = arith.constant 0 : i32
      %scan3A_60 = arith.constant 272 : i32
      %scan3A_61 = arith.addi %scan3A_59, %scan3A_60 : i32
      %scan3A_62 = arith.constant 1 : i32
      scf.for %scan3A_89 = %scan3A_59 to %scan3A_61 step %scan3A_62  : i32 {
        %mul3A_90 = arith.constant 1 : i32
        %mul3A_91 = arith.muli %scan3A_89, %mul3A_90 : i32
        %add3A_92 = arith.constant 0 : i32
        %add3A_93 = arith.addi %add3A_92, %mul3A_91 : i32
        %mul3A_94 = arith.constant 16 : i32
        %mul3A_95 = arith.muli %add3A_93, %mul3A_94 : i32
        %iota3A = tpu.iota {dimensions = array<i32: 0>} : vector<16xi32>
        %mul3A_96 = arith.constant 16 : i32
        %mul3A_97 = arith.muli %add3A_93, %mul3A_96 : i32
        %add3A_98 = vector.broadcast %mul3A_97 : i32 to vector<16xi32>
        %add3A_99 = arith.addi %iota3A, %add3A_98 : vector<16xi32>
        %swap3A = arith.index_cast %mul3A_95 : i32 to index
        %swap3A_100 = tpu.vector_load %arg12[%swap3A] {strides = array<i32>} : memref<4352xi32, #tpu.memory_space<vmem>>, vector<16xi32>,
        tpu.vector_store %arg12[%swap3A], %add3A_99 {strides = array<i32>} : memref<4352xi32, #tpu.memory_space<vmem>>, vector<16xi32>,
        %broadcast_in_dim3A = arith.constant 0 : i32
        %broadcast_in_dim3A_101 = vector.broadcast %broadcast_in_dim3A : i32 to vector<16xi32>
        %add3A_102 = arith.constant 5000 : i32
        %add3A_103 = arith.addi %add3A_102, %arg1 : i32
        %add3A_104 = vector.broadcast %add3A_103 : i32 to vector<16xi32>
        %add3A_105 = arith.addi %broadcast_in_dim3A_101, %add3A_104 : vector<16xi32>
        %swap3A_106 = arith.index_cast %mul3A_95 : i32 to index
        %swap3A_107 = tpu.vector_load %arg13[%swap3A_106] {strides = array<i32>} : memref<4352xi32, #tpu.memory_space<vmem>>, vector<16xi32>,
        tpu.vector_store %arg13[%swap3A_106], %add3A_105 {strides = array<i32>} : memref<4352xi32, #tpu.memory_space<vmem>>, vector<16xi32>,
        %broadcast_in_dim3A_108 = arith.constant 0.000000e+00 : f32
        %broadcast_in_dim3A_109 = vector.broadcast %broadcast_in_dim3A_108 : f32 to vector<16xf32>
        %swap3A_110 = arith.index_cast %mul3A_95 : i32 to index
        %swap3A_111 = tpu.vector_load %arg14[%swap3A_110] {strides = array<i32>} : memref<4352xf32, #tpu.memory_space<vmem>>, vector<16xf32>,
        tpu.vector_store %arg14[%swap3A_110], %broadcast_in_dim3A_109 {strides = array<i32>} : memref<4352xf32, #tpu.memory_space<vmem>>, vector<16xf32>,
      }
      %scan3A_63 = arith.constant 272 : i32
      %scan3A_64 = arith.constant 0 : i32
      %scan3A_65 = arith.constant 0 : i32
      %scan3A_66 = arith.constant 256 : i32
      %scan3A_67 = arith.addi %scan3A_65, %scan3A_66 : i32
      %scan3A_68 = arith.constant 1 : i32
      %scan3A_69 = scf.for %scan3A_89 = %scan3A_65 to %scan3A_67 step %scan3A_68 iter_args(%scan3A_90 = %scan3A_64) -> (i32)  : i32 {
        %jit3A = arith.constant 8 : i32
        %div3A_91 = arith.divsi %scan3A_89, %jit3A : i32
        %sign3A = arith.constant 0 : i32
        %sign3A_92 = arith.cmpi sgt, %scan3A_89, %sign3A : i32
        %sign3A_93 = arith.extui %sign3A_92 : i1 to i32
        %sign3A_94 = arith.constant 0 : i32
        %sign3A_95 = arith.cmpi slt, %scan3A_89, %sign3A_94 : i32
        %sign3A_96 = arith.extui %sign3A_95 : i1 to i32
        %sign3A_97 = arith.subi %sign3A_93, %sign3A_96 : i32
        %sign3A_98 = arith.constant 0 : i32
        %sign3A_99 = arith.cmpi sgt, %jit3A, %sign3A_98 : i32
        %sign3A_100 = arith.extui %sign3A_99 : i1 to i32
        %sign3A_101 = arith.constant 0 : i32
        %sign3A_102 = arith.cmpi slt, %jit3A, %sign3A_101 : i32
        %sign3A_103 = arith.extui %sign3A_102 : i1 to i32
        %sign3A_104 = arith.subi %sign3A_100, %sign3A_103 : i32
        %ne3A = arith.cmpi ne, %sign3A_97, %sign3A_104 : i32
        %rem3A = arith.remsi %scan3A_89, %jit3A : i32
        %ne3A_105 = arith.constant 0 : i32
        %ne3A_106 = arith.cmpi ne, %rem3A, %ne3A_105 : i32
        %and3A = arith.andi %ne3A, %ne3A_106 : i1
        %sub3A_107 = arith.constant 1 : i32
        %sub3A_108 = arith.subi %div3A_91, %sub3A_107 : i32
        %select_n3A = arith.select %and3A, %sub3A_108, %div3A_91 : i32
        %jit3A_109 = arith.constant 8 : i32
        %eq3A = arith.constant 0 : i32
        %eq3A_110 = arith.cmpi eq, %jit3A_109, %eq3A : i32
        %jit3A_111 = arith.constant 1 : i32
        %select_n3A_112 = arith.select %eq3A_110, %jit3A_111, %jit3A_109 : i32
        %rem3A_113 = arith.remsi %scan3A_89, %select_n3A_112 : i32
        %ne3A_114 = arith.constant 0 : i32
        %ne3A_115 = arith.cmpi ne, %rem3A_113, %ne3A_114 : i32
        %lt3A = arith.constant 0 : i32
        %lt3A_116 = arith.cmpi slt, %rem3A_113, %lt3A : i32
        %lt3A_117 = arith.constant 0 : i32
        %lt3A_118 = arith.cmpi slt, %select_n3A_112, %lt3A_117 : i32
        %ne3A_119 = arith.xori %lt3A_116, %lt3A_118 : i1
        %and3A_120 = arith.andi %ne3A_119, %ne3A_115 : i1
        %add3A_121 = arith.addi %rem3A_113, %select_n3A_112 : i32
        %select_n3A_122 = arith.select %and3A_120, %add3A_121, %rem3A_113 : i32
        %mul3A_123 = arith.constant 16 : i32
        %mul3A_124 = arith.muli %select_n3A_122, %mul3A_123 : i32
        %get3A = arith.index_cast %select_n3A : i32 to index
        %get3A_125 = arith.index_cast %mul3A_124 : i32 to index
        %get3A_126 = tpu.vector_load %arg8[%get3A, %get3A_125] {strides = array<i32>} : memref<32x128xi32, #tpu.memory_space<vmem>>, vector<16xi32>,
        %get3A_127 = arith.index_cast %select_n3A : i32 to index
        %get3A_128 = arith.index_cast %mul3A_124 : i32 to index
        %get3A_129 = tpu.vector_load %arg9[%get3A_127, %get3A_128] {strides = array<i32>} : memref<32x128xi32, #tpu.memory_space<vmem>>, vector<16xi32>,
        %get3A_130 = arith.index_cast %select_n3A : i32 to index
        %get3A_131 = arith.index_cast %mul3A_124 : i32 to index
        %get3A_132 = tpu.vector_load %arg10[%get3A_130, %get3A_131] {strides = array<i32>} : memref<32x128xi32, #tpu.memory_space<vmem>>, vector<16xi32>,
        %mul3A_133 = arith.constant 16 : i32
        %mul3A_134 = arith.muli %scan3A_89, %mul3A_133 : i32
        %get3A_135 = arith.index_cast %mul3A_134 : i32 to index
        %get3A_136 = tpu.vector_load %arg11[%get3A_135] {strides = array<i32>} : memref<4096xf32, #tpu.memory_space<vmem>>, vector<16xf32>,
        %sub3A_137 = vector.broadcast %mul3A_0 : i32 to vector<16xi32>
        %sub3A_138 = arith.subi %get3A_132, %sub3A_137 : vector<16xi32>
        %ge3A = arith.constant 0 : i32
        %ge3A_139 = vector.broadcast %ge3A : i32 to vector<16xi32>
        %ge3A_140 = arith.cmpi sge, %sub3A_138, %ge3A_139 : vector<16xi32>
        %lt3A_141 = arith.constant 5000 : i32
        %lt3A_142 = vector.broadcast %lt3A_141 : i32 to vector<16xi32>
        %lt3A_143 = arith.cmpi slt, %sub3A_138, %lt3A_142 : vector<16xi32>
        %and3A_144 = arith.andi %ge3A_140, %lt3A_143 : vector<16xi1>
        %mul3A_145 = arith.constant 10000 : i32
        %mul3A_146 = vector.broadcast %mul3A_145 : i32 to vector<16xi32>
        %mul3A_147 = arith.muli %get3A_129, %mul3A_146 : vector<16xi32>
        %add3A_148 = arith.addi %mul3A_147, %get3A_126 : vector<16xi32>
        %swap3A = arith.index_cast %scan3A_90 : i32 to index
        %swap3A_149 = tpu.vector_load %arg12[%swap3A] masked %and3A_144 {strides = array<i32>} : memref<4352xi32, #tpu.memory_space<vmem>>, vector<16xi32>, vector<16xi1>
        tpu.vector_store %arg12[%swap3A], %add3A_148 masked %and3A_144 {strides = array<i32>} : memref<4352xi32, #tpu.memory_space<vmem>>, vector<16xi32>, vector<16xi1>
        %swap3A_150 = arith.index_cast %scan3A_90 : i32 to index
        %swap3A_151 = tpu.vector_load %arg13[%swap3A_150] masked %and3A_144 {strides = array<i32>} : memref<4352xi32, #tpu.memory_space<vmem>>, vector<16xi32>, vector<16xi1>
        tpu.vector_store %arg13[%swap3A_150], %sub3A_138 masked %and3A_144 {strides = array<i32>} : memref<4352xi32, #tpu.memory_space<vmem>>, vector<16xi32>, vector<16xi1>
        %swap3A_152 = arith.index_cast %scan3A_90 : i32 to index
        %swap3A_153 = tpu.vector_load %arg14[%swap3A_152] masked %and3A_144 {strides = array<i32>} : memref<4352xf32, #tpu.memory_space<vmem>>, vector<16xf32>, vector<16xi1>
        tpu.vector_store %arg14[%swap3A_152], %get3A_136 masked %and3A_144 {strides = array<i32>} : memref<4352xf32, #tpu.memory_space<vmem>>, vector<16xf32>, vector<16xi1>
        %convert_element_type3A_154 = arith.extui %and3A_144 : vector<16xi1> to vector<16xi32>
        %reduce_sum3A = arith.constant true
        %reduce_sum3A_155 = vector.broadcast %reduce_sum3A : i1 to vector<16xi1>
        %reduce_sum3A_156 = tpu.scan <sum>, %convert_element_type3A_154 masked %reduce_sum3A_155 : vector<16xi32>, vector<16xi1> -> vector<16xi32>
        %reduce_sum3A_157 = vector.extract %reduce_sum3A_156[15] : i32 from vector<16xi32>
        %add3A_158 = arith.addi %scan3A_90, %reduce_sum3A_157 : i32
        scf.yield %add3A_158 : i32
      }
      %scan3A_70 = arith.constant 256 : i32
      %scan3A_71 = arith.constant 0 : i32
      %scan3A_72 = arith.constant 18 : i32
      %scan3A_73 = arith.addi %scan3A_71, %scan3A_72 : i32
      %scan3A_74 = arith.constant 1 : i32
      scf.for %scan3A_89 = %scan3A_71 to %scan3A_73 step %scan3A_74  : i32 {
        %mul3A_90 = arith.constant 1 : i32
        %mul3A_91 = arith.muli %scan3A_89, %mul3A_90 : i32
        %add3A_92 = arith.constant 0 : i32
        %add3A_93 = arith.addi %add3A_92, %mul3A_91 : i32
        %mul3A_94 = arith.constant 128 : i32
        %mul3A_95 = arith.muli %add3A_93, %mul3A_94 : i32
        %add3A_96 = arith.constant 0 : i32
        %add3A_97 = arith.addi %mul3A_95, %add3A_96 : i32
        %get3A = arith.index_cast %add3A_97 : i32 to index
        %get3A_98 = tpu.vector_load %arg12[%get3A] {strides = array<i32>} : memref<4352xi32, #tpu.memory_space<vmem>>, vector<16xi32>,
        %swap3A = arith.index_cast %add3A_93 : i32 to index
        %swap3A_99 = arith.constant 0 : index
        %swap3A_100 = tpu.vector_load %arg15[%swap3A, %swap3A_99] {strides = array<i32>} : memref<34x128xi32, #tpu.memory_space<vmem>>, vector<16xi32>,
        tpu.vector_store %arg15[%swap3A, %swap3A_99], %get3A_98 {strides = array<i32>} : memref<34x128xi32, #tpu.memory_space<vmem>>, vector<16xi32>,
        %mul3A_101 = arith.constant 128 : i32
        %mul3A_102 = arith.muli %add3A_93, %mul3A_101 : i32
        %add3A_103 = arith.constant 0 : i32
        %add3A_104 = arith.addi %mul3A_102, %add3A_103 : i32
        %get3A_105 = arith.index_cast %add3A_104 : i32 to index
        %get3A_106 = tpu.vector_load %arg13[%get3A_105] {strides = array<i32>} : memref<4352xi32, #tpu.memory_space<vmem>>, vector<16xi32>,
        %swap3A_107 = arith.index_cast %add3A_93 : i32 to index
        %swap3A_108 = arith.constant 0 : index
        %swap3A_109 = tpu.vector_load %arg16[%swap3A_107, %swap3A_108] {strides = array<i32>} : memref<34x128xi32, #tpu.memory_space<vmem>>, vector<16xi32>,
        tpu.vector_store %arg16[%swap3A_107, %swap3A_108], %get3A_106 {strides = array<i32>} : memref<34x128xi32, #tpu.memory_space<vmem>>, vector<16xi32>,
        %mul3A_110 = arith.constant 128 : i32
        %mul3A_111 = arith.muli %add3A_93, %mul3A_110 : i32
        %add3A_112 = arith.constant 16 : i32
        %add3A_113 = arith.addi %mul3A_111, %add3A_112 : i32
        %get3A_114 = arith.index_cast %add3A_113 : i32 to index
        %get3A_115 = tpu.vector_load %arg12[%get3A_114] {strides = array<i32>} : memref<4352xi32, #tpu.memory_space<vmem>>, vector<16xi32>,
        %swap3A_116 = arith.index_cast %add3A_93 : i32 to index
        %swap3A_117 = arith.constant 16 : index
        %swap3A_118 = tpu.vector_load %arg15[%swap3A_116, %swap3A_117] {strides = array<i32>} : memref<34x128xi32, #tpu.memory_space<vmem>>, vector<16xi32>,
        tpu.vector_store %arg15[%swap3A_116, %swap3A_117], %get3A_115 {strides = array<i32>} : memref<34x128xi32, #tpu.memory_space<vmem>>, vector<16xi32>,
        %mul3A_119 = arith.constant 128 : i32
        %mul3A_120 = arith.muli %add3A_93, %mul3A_119 : i32
        %add3A_121 = arith.constant 16 : i32
        %add3A_122 = arith.addi %mul3A_120, %add3A_121 : i32
        %get3A_123 = arith.index_cast %add3A_122 : i32 to index
        %get3A_124 = tpu.vector_load %arg13[%get3A_123] {strides = array<i32>} : memref<4352xi32, #tpu.memory_space<vmem>>, vector<16xi32>,
        %swap3A_125 = arith.index_cast %add3A_93 : i32 to index
        %swap3A_126 = arith.constant 16 : index
        %swap3A_127 = tpu.vector_load %arg16[%swap3A_125, %swap3A_126] {strides = array<i32>} : memref<34x128xi32, #tpu.memory_space<vmem>>, vector<16xi32>,
        tpu.vector_store %arg16[%swap3A_125, %swap3A_126], %get3A_124 {strides = array<i32>} : memref<34x128xi32, #tpu.memory_space<vmem>>, vector<16xi32>,
        %mul3A_128 = arith.constant 128 : i32
        %mul3A_129 = arith.muli %add3A_93, %mul3A_128 : i32
        %add3A_130 = arith.constant 32 : i32
        %add3A_131 = arith.addi %mul3A_129, %add3A_130 : i32
        %get3A_132 = arith.index_cast %add3A_131 : i32 to index
        %get3A_133 = tpu.vector_load %arg12[%get3A_132] {strides = array<i32>} : memref<4352xi32, #tpu.memory_space<vmem>>, vector<16xi32>,
        %swap3A_134 = arith.index_cast %add3A_93 : i32 to index
        %swap3A_135 = arith.constant 32 : index
        %swap3A_136 = tpu.vector_load %arg15[%swap3A_134, %swap3A_135] {strides = array<i32>} : memref<34x128xi32, #tpu.memory_space<vmem>>, vector<16xi32>,
        tpu.vector_store %arg15[%swap3A_134, %swap3A_135], %get3A_133 {strides = array<i32>} : memref<34x128xi32, #tpu.memory_space<vmem>>, vector<16xi32>,
        %mul3A_137 = arith.constant 128 : i32
        %mul3A_138 = arith.muli %add3A_93, %mul3A_137 : i32
        %add3A_139 = arith.constant 32 : i32
        %add3A_140 = arith.addi %mul3A_138, %add3A_139 : i32
        %get3A_141 = arith.index_cast %add3A_140 : i32 to index
        %get3A_142 = tpu.vector_load %arg13[%get3A_141] {strides = array<i32>} : memref<4352xi32, #tpu.memory_space<vmem>>, vector<16xi32>,
        %swap3A_143 = arith.index_cast %add3A_93 : i32 to index
        %swap3A_144 = arith.constant 32 : index
        %swap3A_145 = tpu.vector_load %arg16[%swap3A_143, %swap3A_144] {strides = array<i32>} : memref<34x128xi32, #tpu.memory_space<vmem>>, vector<16xi32>,
        tpu.vector_store %arg16[%swap3A_143, %swap3A_144], %get3A_142 {strides = array<i32>} : memref<34x128xi32, #tpu.memory_space<vmem>>, vector<16xi32>,
        %mul3A_146 = arith.constant 128 : i32
        %mul3A_147 = arith.muli %add3A_93, %mul3A_146 : i32
        %add3A_148 = arith.constant 48 : i32
        %add3A_149 = arith.addi %mul3A_147, %add3A_148 : i32
        %get3A_150 = arith.index_cast %add3A_149 : i32 to index
        %get3A_151 = tpu.vector_load %arg12[%get3A_150] {strides = array<i32>} : memref<4352xi32, #tpu.memory_space<vmem>>, vector<16xi32>,
        %swap3A_152 = arith.index_cast %add3A_93 : i32 to index
        %swap3A_153 = arith.constant 48 : index
        %swap3A_154 = tpu.vector_load %arg15[%swap3A_152, %swap3A_153] {strides = array<i32>} : memref<34x128xi32, #tpu.memory_space<vmem>>, vector<16xi32>,
        tpu.vector_store %arg15[%swap3A_152, %swap3A_153], %get3A_151 {strides = array<i32>} : memref<34x128xi32, #tpu.memory_space<vmem>>, vector<16xi32>,
        %mul3A_155 = arith.constant 128 : i32
        %mul3A_156 = arith.muli %add3A_93, %mul3A_155 : i32
        %add3A_157 = arith.constant 48 : i32
        %add3A_158 = arith.addi %mul3A_156, %add3A_157 : i32
        %get3A_159 = arith.index_cast %add3A_158 : i32 to index
        %get3A_160 = tpu.vector_load %arg13[%get3A_159] {strides = array<i32>} : memref<4352xi32, #tpu.memory_space<vmem>>, vector<16xi32>,
        %swap3A_161 = arith.index_cast %add3A_93 : i32 to index
        %swap3A_162 = arith.constant 48 : index
        %swap3A_163 = tpu.vector_load %arg16[%swap3A_161, %swap3A_162] {strides = array<i32>} : memref<34x128xi32, #tpu.memory_space<vmem>>, vector<16xi32>,
        tpu.vector_store %arg16[%swap3A_161, %swap3A_162], %get3A_160 {strides = array<i32>} : memref<34x128xi32, #tpu.memory_space<vmem>>, vector<16xi32>,
        %mul3A_164 = arith.constant 128 : i32
        %mul3A_165 = arith.muli %add3A_93, %mul3A_164 : i32
        %add3A_166 = arith.constant 64 : i32
        %add3A_167 = arith.addi %mul3A_165, %add3A_166 : i32
        %get3A_168 = arith.index_cast %add3A_167 : i32 to index
        %get3A_169 = tpu.vector_load %arg12[%get3A_168] {strides = array<i32>} : memref<4352xi32, #tpu.memory_space<vmem>>, vector<16xi32>,
        %swap3A_170 = arith.index_cast %add3A_93 : i32 to index
        %swap3A_171 = arith.constant 64 : index
        %swap3A_172 = tpu.vector_load %arg15[%swap3A_170, %swap3A_171] {strides = array<i32>} : memref<34x128xi32, #tpu.memory_space<vmem>>, vector<16xi32>,
        tpu.vector_store %arg15[%swap3A_170, %swap3A_171], %get3A_169 {strides = array<i32>} : memref<34x128xi32, #tpu.memory_space<vmem>>, vector<16xi32>,
        %mul3A_173 = arith.constant 128 : i32
        %mul3A_174 = arith.muli %add3A_93, %mul3A_173 : i32
        %add3A_175 = arith.constant 64 : i32
        %add3A_176 = arith.addi %mul3A_174, %add3A_175 : i32
        %get3A_177 = arith.index_cast %add3A_176 : i32 to index
        %get3A_178 = tpu.vector_load %arg13[%get3A_177] {strides = array<i32>} : memref<4352xi32, #tpu.memory_space<vmem>>, vector<16xi32>,
        %swap3A_179 = arith.index_cast %add3A_93 : i32 to index
        %swap3A_180 = arith.constant 64 : index
        %swap3A_181 = tpu.vector_load %arg16[%swap3A_179, %swap3A_180] {strides = array<i32>} : memref<34x128xi32, #tpu.memory_space<vmem>>, vector<16xi32>,
        tpu.vector_store %arg16[%swap3A_179, %swap3A_180], %get3A_178 {strides = array<i32>} : memref<34x128xi32, #tpu.memory_space<vmem>>, vector<16xi32>,
        %mul3A_182 = arith.constant 128 : i32
        %mul3A_183 = arith.muli %add3A_93, %mul3A_182 : i32
        %add3A_184 = arith.constant 80 : i32
        %add3A_185 = arith.addi %mul3A_183, %add3A_184 : i32
        %get3A_186 = arith.index_cast %add3A_185 : i32 to index
        %get3A_187 = tpu.vector_load %arg12[%get3A_186] {strides = array<i32>} : memref<4352xi32, #tpu.memory_space<vmem>>, vector<16xi32>,
        %swap3A_188 = arith.index_cast %add3A_93 : i32 to index
        %swap3A_189 = arith.constant 80 : index
        %swap3A_190 = tpu.vector_load %arg15[%swap3A_188, %swap3A_189] {strides = array<i32>} : memref<34x128xi32, #tpu.memory_space<vmem>>, vector<16xi32>,
        tpu.vector_store %arg15[%swap3A_188, %swap3A_189], %get3A_187 {strides = array<i32>} : memref<34x128xi32, #tpu.memory_space<vmem>>, vector<16xi32>,
        %mul3A_191 = arith.constant 128 : i32
        %mul3A_192 = arith.muli %add3A_93, %mul3A_191 : i32
        %add3A_193 = arith.constant 80 : i32
        %add3A_194 = arith.addi %mul3A_192, %add3A_193 : i32
        %get3A_195 = arith.index_cast %add3A_194 : i32 to index
        %get3A_196 = tpu.vector_load %arg13[%get3A_195] {strides = array<i32>} : memref<4352xi32, #tpu.memory_space<vmem>>, vector<16xi32>,
        %swap3A_197 = arith.index_cast %add3A_93 : i32 to index
        %swap3A_198 = arith.constant 80 : index
        %swap3A_199 = tpu.vector_load %arg16[%swap3A_197, %swap3A_198] {strides = array<i32>} : memref<34x128xi32, #tpu.memory_space<vmem>>, vector<16xi32>,
        tpu.vector_store %arg16[%swap3A_197, %swap3A_198], %get3A_196 {strides = array<i32>} : memref<34x128xi32, #tpu.memory_space<vmem>>, vector<16xi32>,
        %mul3A_200 = arith.constant 128 : i32
        %mul3A_201 = arith.muli %add3A_93, %mul3A_200 : i32
        %add3A_202 = arith.constant 96 : i32
        %add3A_203 = arith.addi %mul3A_201, %add3A_202 : i32
        %get3A_204 = arith.index_cast %add3A_203 : i32 to index
        %get3A_205 = tpu.vector_load %arg12[%get3A_204] {strides = array<i32>} : memref<4352xi32, #tpu.memory_space<vmem>>, vector<16xi32>,
        %swap3A_206 = arith.index_cast %add3A_93 : i32 to index
        %swap3A_207 = arith.constant 96 : index
        %swap3A_208 = tpu.vector_load %arg15[%swap3A_206, %swap3A_207] {strides = array<i32>} : memref<34x128xi32, #tpu.memory_space<vmem>>, vector<16xi32>,
        tpu.vector_store %arg15[%swap3A_206, %swap3A_207], %get3A_205 {strides = array<i32>} : memref<34x128xi32, #tpu.memory_space<vmem>>, vector<16xi32>,
        %mul3A_209 = arith.constant 128 : i32
        %mul3A_210 = arith.muli %add3A_93, %mul3A_209 : i32
        %add3A_211 = arith.constant 96 : i32
        %add3A_212 = arith.addi %mul3A_210, %add3A_211 : i32
        %get3A_213 = arith.index_cast %add3A_212 : i32 to index
        %get3A_214 = tpu.vector_load %arg13[%get3A_213] {strides = array<i32>} : memref<4352xi32, #tpu.memory_space<vmem>>, vector<16xi32>,
        %swap3A_215 = arith.index_cast %add3A_93 : i32 to index
        %swap3A_216 = arith.constant 96 : index
        %swap3A_217 = tpu.vector_load %arg16[%swap3A_215, %swap3A_216] {strides = array<i32>} : memref<34x128xi32, #tpu.memory_space<vmem>>, vector<16xi32>,
        tpu.vector_store %arg16[%swap3A_215, %swap3A_216], %get3A_214 {strides = array<i32>} : memref<34x128xi32, #tpu.memory_space<vmem>>, vector<16xi32>,
        %mul3A_218 = arith.constant 128 : i32
        %mul3A_219 = arith.muli %add3A_93, %mul3A_218 : i32
        %add3A_220 = arith.constant 112 : i32
        %add3A_221 = arith.addi %mul3A_219, %add3A_220 : i32
        %get3A_222 = arith.index_cast %add3A_221 : i32 to index
        %get3A_223 = tpu.vector_load %arg12[%get3A_222] {strides = array<i32>} : memref<4352xi32, #tpu.memory_space<vmem>>, vector<16xi32>,
        %swap3A_224 = arith.index_cast %add3A_93 : i32 to index
        %swap3A_225 = arith.constant 112 : index
        %swap3A_226 = tpu.vector_load %arg15[%swap3A_224, %swap3A_225] {strides = array<i32>} : memref<34x128xi32, #tpu.memory_space<vmem>>, vector<16xi32>,
        tpu.vector_store %arg15[%swap3A_224, %swap3A_225], %get3A_223 {strides = array<i32>} : memref<34x128xi32, #tpu.memory_space<vmem>>, vector<16xi32>,
        %mul3A_227 = arith.constant 128 : i32
        %mul3A_228 = arith.muli %add3A_93, %mul3A_227 : i32
        %add3A_229 = arith.constant 112 : i32
        %add3A_230 = arith.addi %mul3A_228, %add3A_229 : i32
        %get3A_231 = arith.index_cast %add3A_230 : i32 to index
        %get3A_232 = tpu.vector_load %arg13[%get3A_231] {strides = array<i32>} : memref<4352xi32, #tpu.memory_space<vmem>>, vector<16xi32>,
        %swap3A_233 = arith.index_cast %add3A_93 : i32 to index
        %swap3A_234 = arith.constant 112 : index
        %swap3A_235 = tpu.vector_load %arg16[%swap3A_233, %swap3A_234] {strides = array<i32>} : memref<34x128xi32, #tpu.memory_space<vmem>>, vector<16xi32>,
        tpu.vector_store %arg16[%swap3A_233, %swap3A_234], %get3A_232 {strides = array<i32>} : memref<34x128xi32, #tpu.memory_space<vmem>>, vector<16xi32>,
      }
      %scan3A_75 = arith.constant 18 : i32
      %dma_start3A = arith.constant 0 : i32
      %dma_start3A_76 = arith.constant 0 : i32
      %dma_start3A_77 = tpu.memref_slice %arg15[%dma_start3A, %dma_start3A_76] : memref<34x128xi32, #tpu.memory_space<vmem>> -> memref<1x128xi32, #tpu.memory_space<vmem>>
      %dma_start3A_78 = tpu.memref_squeeze %dma_start3A_77 : memref<1x128xi32, #tpu.memory_space<vmem>> -> memref<128xi32, #tpu.memory_space<vmem>>
      %dma_start3A_79 = arith.constant 0 : i32
      %dma_start3A_80 = arith.constant 0 : i32
      %dma_start3A_81 = tpu.memref_slice %arg2[%dma_start3A_79, %dma_start3A_80] : memref<160000x128xf32, #tpu.memory_space<hbm>> -> memref<160000x128xf32, #tpu.memory_space<hbm>>
      tpu.enqueue_indirect_dma source(%dma_start3A_81 : memref<160000x128xf32, #tpu.memory_space<hbm>>) target(%arg17 : memref<128x128xf32, #tpu.memory_space<vmem>>) offsets(%dma_start3A_78 : memref<128xi32, #tpu.memory_space<vmem>>) semaphore(%arg21 : memref<!tpu.dma_semaphore, #tpu.memory_space<semaphore_mem>>)
      %scan3A_82 = arith.constant 0 : i32
      %scan3A_83 = arith.constant 9 : i32
      %scan3A_84 = arith.addi %scan3A_82, %scan3A_83 : i32
      %scan3A_85 = arith.constant 1 : i32
      scf.for %scan3A_89 = %scan3A_82 to %scan3A_84 step %scan3A_85  : i32 {
        %mul3A_90 = arith.constant 2 : i32
        %mul3A_91 = arith.muli %scan3A_89, %mul3A_90 : i32
        %add3A_92 = arith.constant 0 : i32
        %add3A_93 = arith.addi %add3A_92, %mul3A_91 : i32
        %add3A_94 = arith.constant 1 : i32
        %add3A_95 = arith.addi %add3A_93, %add3A_94 : i32
        %dma_start3A_96 = arith.constant 0 : i32
        %dma_start3A_97 = tpu.memref_slice %arg15[%add3A_95, %dma_start3A_96] : memref<34x128xi32, #tpu.memory_space<vmem>> -> memref<1x128xi32, #tpu.memory_space<vmem>>
        %dma_start3A_98 = tpu.memref_squeeze %dma_start3A_97 : memref<1x128xi32, #tpu.memory_space<vmem>> -> memref<128xi32, #tpu.memory_space<vmem>>
        %dma_start3A_99 = arith.constant 0 : i32
        %dma_start3A_100 = arith.constant 0 : i32
        %dma_start3A_101 = tpu.memref_slice %arg2[%dma_start3A_99, %dma_start3A_100] : memref<160000x128xf32, #tpu.memory_space<hbm>> -> memref<160000x128xf32, #tpu.memory_space<hbm>>
        tpu.enqueue_indirect_dma source(%dma_start3A_101 : memref<160000x128xf32, #tpu.memory_space<hbm>>) target(%arg18 : memref<128x128xf32, #tpu.memory_space<vmem>>) offsets(%dma_start3A_98 : memref<128xi32, #tpu.memory_space<vmem>>) semaphore(%arg22 : memref<!tpu.dma_semaphore, #tpu.memory_space<semaphore_mem>>)
        %dma_wait3A = arith.constant 0 : i32
        %dma_wait3A_102 = tpu.memref_slice %arg15[%add3A_93, %dma_wait3A] : memref<34x128xi32, #tpu.memory_space<vmem>> -> memref<1x128xi32, #tpu.memory_space<vmem>>
        %dma_wait3A_103 = tpu.memref_squeeze %dma_wait3A_102 : memref<1x128xi32, #tpu.memory_space<vmem>> -> memref<128xi32, #tpu.memory_space<vmem>>
        %dma_wait3A_104 = arith.constant 0 : i32
        %dma_wait3A_105 = arith.constant 0 : i32
        %dma_wait3A_106 = tpu.memref_slice %arg2[%dma_wait3A_104, %dma_wait3A_105] : memref<160000x128xf32, #tpu.memory_space<hbm>> -> memref<160000x128xf32, #tpu.memory_space<hbm>>
        tpu.wait_indirect_dma semaphore(%arg21 : memref<!tpu.dma_semaphore, #tpu.memory_space<semaphore_mem>>) src(%dma_wait3A_106 : memref<160000x128xf32, #tpu.memory_space<hbm>>) dst(%arg17 : memref<128x128xf32, #tpu.memory_space<vmem>>)
        %scan3A_107 = arith.constant 0 : i32
        %scan3A_108 = arith.constant 128 : i32
        %scan3A_109 = arith.addi %scan3A_107, %scan3A_108 : i32
        %scan3A_110 = arith.constant 1 : i32
        scf.for %scan3A_133 = %scan3A_107 to %scan3A_109 step %scan3A_110  : i32 {
          %mul3A_134 = arith.constant 1 : i32
          %mul3A_135 = arith.muli %scan3A_133, %mul3A_134 : i32
          %add3A_136 = arith.constant 0 : i32
          %add3A_137 = arith.addi %add3A_136, %mul3A_135 : i32
          %broadcast_in_dim3A = arith.constant 0 : i32
          %broadcast_in_dim3A_138 = vector.broadcast %broadcast_in_dim3A : i32 to vector<16xi32>
          %mul3A_139 = arith.constant 128 : i32
          %mul3A_140 = arith.muli %add3A_93, %mul3A_139 : i32
          %add3A_141 = arith.addi %mul3A_140, %add3A_137 : i32
          %add3A_142 = vector.broadcast %add3A_141 : i32 to vector<16xi32>
          %add3A_143 = arith.addi %broadcast_in_dim3A_138, %add3A_142 : vector<16xi32>
          %gather3A = tpu.vector_load_idx %arg14[%add3A_143] : memref<4352xf32, #tpu.memory_space<vmem>>[vector<16xi32>], vector<16xf32>,
          %get3A = arith.index_cast %add3A_137 : i32 to index
          %get3A_144 = arith.constant 0 : index
          %get3A_145 = tpu.vector_load %arg17[%get3A, %get3A_144] {strides = array<i32>} : memref<128x128xf32, #tpu.memory_space<vmem>>, vector<16xf32>,
          %mul3A_146 = arith.mulf %get3A_145, %gather3A : vector<16xf32>
          %swap3A = arith.index_cast %add3A_137 : i32 to index
          %swap3A_147 = arith.constant 0 : index
          %swap3A_148 = tpu.vector_load %arg17[%swap3A, %swap3A_147] {strides = array<i32>} : memref<128x128xf32, #tpu.memory_space<vmem>>, vector<16xf32>,
          tpu.vector_store %arg17[%swap3A, %swap3A_147], %mul3A_146 {strides = array<i32>} : memref<128x128xf32, #tpu.memory_space<vmem>>, vector<16xf32>,
          %get3A_149 = arith.index_cast %add3A_137 : i32 to index
          %get3A_150 = arith.constant 16 : index
          %get3A_151 = tpu.vector_load %arg17[%get3A_149, %get3A_150] {strides = array<i32>} : memref<128x128xf32, #tpu.memory_space<vmem>>, vector<16xf32>,
          %mul3A_152 = arith.mulf %get3A_151, %gather3A : vector<16xf32>
          %swap3A_153 = arith.index_cast %add3A_137 : i32 to index
          %swap3A_154 = arith.constant 16 : index
          %swap3A_155 = tpu.vector_load %arg17[%swap3A_153, %swap3A_154] {strides = array<i32>} : memref<128x128xf32, #tpu.memory_space<vmem>>, vector<16xf32>,
          tpu.vector_store %arg17[%swap3A_153, %swap3A_154], %mul3A_152 {strides = array<i32>} : memref<128x128xf32, #tpu.memory_space<vmem>>, vector<16xf32>,
          %get3A_156 = arith.index_cast %add3A_137 : i32 to index
          %get3A_157 = arith.constant 32 : index
          %get3A_158 = tpu.vector_load %arg17[%get3A_156, %get3A_157] {strides = array<i32>} : memref<128x128xf32, #tpu.memory_space<vmem>>, vector<16xf32>,
          %mul3A_159 = arith.mulf %get3A_158, %gather3A : vector<16xf32>
          %swap3A_160 = arith.index_cast %add3A_137 : i32 to index
          %swap3A_161 = arith.constant 32 : index
          %swap3A_162 = tpu.vector_load %arg17[%swap3A_160, %swap3A_161] {strides = array<i32>} : memref<128x128xf32, #tpu.memory_space<vmem>>, vector<16xf32>,
          tpu.vector_store %arg17[%swap3A_160, %swap3A_161], %mul3A_159 {strides = array<i32>} : memref<128x128xf32, #tpu.memory_space<vmem>>, vector<16xf32>,
          %get3A_163 = arith.index_cast %add3A_137 : i32 to index
          %get3A_164 = arith.constant 48 : index
          %get3A_165 = tpu.vector_load %arg17[%get3A_163, %get3A_164] {strides = array<i32>} : memref<128x128xf32, #tpu.memory_space<vmem>>, vector<16xf32>,
          %mul3A_166 = arith.mulf %get3A_165, %gather3A : vector<16xf32>
          %swap3A_167 = arith.index_cast %add3A_137 : i32 to index
          %swap3A_168 = arith.constant 48 : index
          %swap3A_169 = tpu.vector_load %arg17[%swap3A_167, %swap3A_168] {strides = array<i32>} : memref<128x128xf32, #tpu.memory_space<vmem>>, vector<16xf32>,
          tpu.vector_store %arg17[%swap3A_167, %swap3A_168], %mul3A_166 {strides = array<i32>} : memref<128x128xf32, #tpu.memory_space<vmem>>, vector<16xf32>,
          %get3A_170 = arith.index_cast %add3A_137 : i32 to index
          %get3A_171 = arith.constant 64 : index
          %get3A_172 = tpu.vector_load %arg17[%get3A_170, %get3A_171] {strides = array<i32>} : memref<128x128xf32, #tpu.memory_space<vmem>>, vector<16xf32>,
          %mul3A_173 = arith.mulf %get3A_172, %gather3A : vector<16xf32>
          %swap3A_174 = arith.index_cast %add3A_137 : i32 to index
          %swap3A_175 = arith.constant 64 : index
          %swap3A_176 = tpu.vector_load %arg17[%swap3A_174, %swap3A_175] {strides = array<i32>} : memref<128x128xf32, #tpu.memory_space<vmem>>, vector<16xf32>,
          tpu.vector_store %arg17[%swap3A_174, %swap3A_175], %mul3A_173 {strides = array<i32>} : memref<128x128xf32, #tpu.memory_space<vmem>>, vector<16xf32>,
          %get3A_177 = arith.index_cast %add3A_137 : i32 to index
          %get3A_178 = arith.constant 80 : index
          %get3A_179 = tpu.vector_load %arg17[%get3A_177, %get3A_178] {strides = array<i32>} : memref<128x128xf32, #tpu.memory_space<vmem>>, vector<16xf32>,
          %mul3A_180 = arith.mulf %get3A_179, %gather3A : vector<16xf32>
          %swap3A_181 = arith.index_cast %add3A_137 : i32 to index
          %swap3A_182 = arith.constant 80 : index
          %swap3A_183 = tpu.vector_load %arg17[%swap3A_181, %swap3A_182] {strides = array<i32>} : memref<128x128xf32, #tpu.memory_space<vmem>>, vector<16xf32>,
          tpu.vector_store %arg17[%swap3A_181, %swap3A_182], %mul3A_180 {strides = array<i32>} : memref<128x128xf32, #tpu.memory_space<vmem>>, vector<16xf32>,
          %get3A_184 = arith.index_cast %add3A_137 : i32 to index
          %get3A_185 = arith.constant 96 : index
          %get3A_186 = tpu.vector_load %arg17[%get3A_184, %get3A_185] {strides = array<i32>} : memref<128x128xf32, #tpu.memory_space<vmem>>, vector<16xf32>,
          %mul3A_187 = arith.mulf %get3A_186, %gather3A : vector<16xf32>
          %swap3A_188 = arith.index_cast %add3A_137 : i32 to index
          %swap3A_189 = arith.constant 96 : index
          %swap3A_190 = tpu.vector_load %arg17[%swap3A_188, %swap3A_189] {strides = array<i32>} : memref<128x128xf32, #tpu.memory_space<vmem>>, vector<16xf32>,
          tpu.vector_store %arg17[%swap3A_188, %swap3A_189], %mul3A_187 {strides = array<i32>} : memref<128x128xf32, #tpu.memory_space<vmem>>, vector<16xf32>,
          %get3A_191 = arith.index_cast %add3A_137 : i32 to index
          %get3A_192 = arith.constant 112 : index
          %get3A_193 = tpu.vector_load %arg17[%get3A_191, %get3A_192] {strides = array<i32>} : memref<128x128xf32, #tpu.memory_space<vmem>>, vector<16xf32>,
          %mul3A_194 = arith.mulf %get3A_193, %gather3A : vector<16xf32>
          %swap3A_195 = arith.index_cast %add3A_137 : i32 to index
          %swap3A_196 = arith.constant 112 : index
          %swap3A_197 = tpu.vector_load %arg17[%swap3A_195, %swap3A_196] {strides = array<i32>} : memref<128x128xf32, #tpu.memory_space<vmem>>, vector<16xf32>,
          tpu.vector_store %arg17[%swap3A_195, %swap3A_196], %mul3A_194 {strides = array<i32>} : memref<128x128xf32, #tpu.memory_space<vmem>>, vector<16xf32>,
        }
        %scan3A_111 = arith.constant 128 : i32
        "tpu.region"() ({
          %run_scoped3A = tpu.sem_alloc : memref<!tpu.dma_semaphore, #tpu.memory_space<semaphore_mem>>
          %dma_start3A_133 = arith.constant 0 : i32
          %dma_start3A_134 = tpu.memref_slice %arg16[%add3A_93, %dma_start3A_133] : memref<34x128xi32, #tpu.memory_space<vmem>> -> memref<1x128xi32, #tpu.memory_space<vmem>>
          %dma_start3A_135 = tpu.memref_squeeze %dma_start3A_134 : memref<1x128xi32, #tpu.memory_space<vmem>> -> memref<128xi32, #tpu.memory_space<vmem>>
          %dma_start3A_136 = arith.constant 0 : i32
          %dma_start3A_137 = arith.constant 0 : i32
          %dma_start3A_138 = tpu.memref_slice %arg20[%dma_start3A_136, %dma_start3A_137] : memref<5040x128xf32, #tpu.memory_space<vmem_shared>> -> memref<5040x128xf32, #tpu.memory_space<vmem_shared>>
          tpu.enqueue_indirect_dma source(%arg17 : memref<128x128xf32, #tpu.memory_space<vmem>>) target(%dma_start3A_138 : memref<5040x128xf32, #tpu.memory_space<vmem_shared>>) offsets(%dma_start3A_135 : memref<128xi32, #tpu.memory_space<vmem>>) semaphore(%run_scoped3A : memref<!tpu.dma_semaphore, #tpu.memory_space<semaphore_mem>>) {add = true}
          %dma_wait3A_139 = arith.constant 0 : i32
          %dma_wait3A_140 = tpu.memref_slice %arg16[%add3A_93, %dma_wait3A_139] : memref<34x128xi32, #tpu.memory_space<vmem>> -> memref<1x128xi32, #tpu.memory_space<vmem>>
          %dma_wait3A_141 = tpu.memref_squeeze %dma_wait3A_140 : memref<1x128xi32, #tpu.memory_space<vmem>> -> memref<128xi32, #tpu.memory_space<vmem>>
          %dma_wait3A_142 = arith.constant 0 : i32
          %dma_wait3A_143 = arith.constant 0 : i32
          %dma_wait3A_144 = tpu.memref_slice %arg20[%dma_wait3A_142, %dma_wait3A_143] : memref<5040x128xf32, #tpu.memory_space<vmem_shared>> -> memref<5040x128xf32, #tpu.memory_space<vmem_shared>>
          tpu.wait_indirect_dma semaphore(%run_scoped3A : memref<!tpu.dma_semaphore, #tpu.memory_space<semaphore_mem>>) src(%arg17 : memref<128x128xf32, #tpu.memory_space<vmem>>) dst(%dma_wait3A_144 : memref<5040x128xf32, #tpu.memory_space<vmem_shared>>)
          tpu.yield
        }) : () -> ()
        %add3A_112 = arith.constant 2 : i32
        %add3A_113 = arith.addi %add3A_93, %add3A_112 : i32
        %lt3A = arith.constant 18 : i32
        %lt3A_114 = arith.cmpi slt, %add3A_113, %lt3A : i32
        %convert_element_type3A_115 = arith.extui %lt3A_114 : i1 to i32
        %cond3A_116 = arith.constant 0 : i32
        %cond3A_117 = arith.cmpi ne, %convert_element_type3A_115, %cond3A_116 : i32
        scf.if %cond3A_117 {
          %add3A_133 = arith.constant 2 : i32
          %add3A_134 = arith.addi %add3A_93, %add3A_133 : i32
          %dma_start3A_135 = arith.constant 0 : i32
          %dma_start3A_136 = tpu.memref_slice %arg15[%add3A_134, %dma_start3A_135] : memref<34x128xi32, #tpu.memory_space<vmem>> -> memref<1x128xi32, #tpu.memory_space<vmem>>
          %dma_start3A_137 = tpu.memref_squeeze %dma_start3A_136 : memref<1x128xi32, #tpu.memory_space<vmem>> -> memref<128xi32, #tpu.memory_space<vmem>>
          %dma_start3A_138 = arith.constant 0 : i32
          %dma_start3A_139 = arith.constant 0 : i32
          %dma_start3A_140 = tpu.memref_slice %arg2[%dma_start3A_138, %dma_start3A_139] : memref<160000x128xf32, #tpu.memory_space<hbm>> -> memref<160000x128xf32, #tpu.memory_space<hbm>>
          tpu.enqueue_indirect_dma source(%dma_start3A_140 : memref<160000x128xf32, #tpu.memory_space<hbm>>) target(%arg17 : memref<128x128xf32, #tpu.memory_space<vmem>>) offsets(%dma_start3A_137 : memref<128xi32, #tpu.memory_space<vmem>>) semaphore(%arg21 : memref<!tpu.dma_semaphore, #tpu.memory_space<semaphore_mem>>)
        } else {
        }
        %add3A_118 = arith.constant 1 : i32
        %add3A_119 = arith.addi %add3A_93, %add3A_118 : i32
        %dma_wait3A_120 = arith.constant 0 : i32
        %dma_wait3A_121 = tpu.memref_slice %arg15[%add3A_119, %dma_wait3A_120] : memref<34x128xi32, #tpu.memory_space<vmem>> -> memref<1x128xi32, #tpu.memory_space<vmem>>
        %dma_wait3A_122 = tpu.memref_squeeze %dma_wait3A_121 : memref<1x128xi32, #tpu.memory_space<vmem>> -> memref<128xi32, #tpu.memory_space<vmem>>
        %dma_wait3A_123 = arith.constant 0 : i32
        %dma_wait3A_124 = arith.constant 0 : i32
        %dma_wait3A_125 = tpu.memref_slice %arg2[%dma_wait3A_123, %dma_wait3A_124] : memref<160000x128xf32, #tpu.memory_space<hbm>> -> memref<160000x128xf32, #tpu.memory_space<hbm>>
        tpu.wait_indirect_dma semaphore(%arg22 : memref<!tpu.dma_semaphore, #tpu.memory_space<semaphore_mem>>) src(%dma_wait3A_125 : memref<160000x128xf32, #tpu.memory_space<hbm>>) dst(%arg18 : memref<128x128xf32, #tpu.memory_space<vmem>>)
        %add3A_126 = arith.constant 1 : i32
        %add3A_127 = arith.addi %add3A_93, %add3A_126 : i32
        %scan3A_128 = arith.constant 0 : i32
        %scan3A_129 = arith.constant 128 : i32
        %scan3A_130 = arith.addi %scan3A_128, %scan3A_129 : i32
        %scan3A_131 = arith.constant 1 : i32
        scf.for %scan3A_133 = %scan3A_128 to %scan3A_130 step %scan3A_131  : i32 {
          %mul3A_134 = arith.constant 1 : i32
          %mul3A_135 = arith.muli %scan3A_133, %mul3A_134 : i32
          %add3A_136 = arith.constant 0 : i32
          %add3A_137 = arith.addi %add3A_136, %mul3A_135 : i32
          %broadcast_in_dim3A = arith.constant 0 : i32
          %broadcast_in_dim3A_138 = vector.broadcast %broadcast_in_dim3A : i32 to vector<16xi32>
          %mul3A_139 = arith.constant 128 : i32
          %mul3A_140 = arith.muli %add3A_127, %mul3A_139 : i32
          %add3A_141 = arith.addi %mul3A_140, %add3A_137 : i32
          %add3A_142 = vector.broadcast %add3A_141 : i32 to vector<16xi32>
          %add3A_143 = arith.addi %broadcast_in_dim3A_138, %add3A_142 : vector<16xi32>
          %gather3A = tpu.vector_load_idx %arg14[%add3A_143] : memref<4352xf32, #tpu.memory_space<vmem>>[vector<16xi32>], vector<16xf32>,
          %get3A = arith.index_cast %add3A_137 : i32 to index
          %get3A_144 = arith.constant 0 : index
          %get3A_145 = tpu.vector_load %arg18[%get3A, %get3A_144] {strides = array<i32>} : memref<128x128xf32, #tpu.memory_space<vmem>>, vector<16xf32>,
          %mul3A_146 = arith.mulf %get3A_145, %gather3A : vector<16xf32>
          %swap3A = arith.index_cast %add3A_137 : i32 to index
          %swap3A_147 = arith.constant 0 : index
          %swap3A_148 = tpu.vector_load %arg18[%swap3A, %swap3A_147] {strides = array<i32>} : memref<128x128xf32, #tpu.memory_space<vmem>>, vector<16xf32>,
          tpu.vector_store %arg18[%swap3A, %swap3A_147], %mul3A_146 {strides = array<i32>} : memref<128x128xf32, #tpu.memory_space<vmem>>, vector<16xf32>,
          %get3A_149 = arith.index_cast %add3A_137 : i32 to index
          %get3A_150 = arith.constant 16 : index
          %get3A_151 = tpu.vector_load %arg18[%get3A_149, %get3A_150] {strides = array<i32>} : memref<128x128xf32, #tpu.memory_space<vmem>>, vector<16xf32>,
          %mul3A_152 = arith.mulf %get3A_151, %gather3A : vector<16xf32>
          %swap3A_153 = arith.index_cast %add3A_137 : i32 to index
          %swap3A_154 = arith.constant 16 : index
          %swap3A_155 = tpu.vector_load %arg18[%swap3A_153, %swap3A_154] {strides = array<i32>} : memref<128x128xf32, #tpu.memory_space<vmem>>, vector<16xf32>,
          tpu.vector_store %arg18[%swap3A_153, %swap3A_154], %mul3A_152 {strides = array<i32>} : memref<128x128xf32, #tpu.memory_space<vmem>>, vector<16xf32>,
          %get3A_156 = arith.index_cast %add3A_137 : i32 to index
          %get3A_157 = arith.constant 32 : index
          %get3A_158 = tpu.vector_load %arg18[%get3A_156, %get3A_157] {strides = array<i32>} : memref<128x128xf32, #tpu.memory_space<vmem>>, vector<16xf32>,
          %mul3A_159 = arith.mulf %get3A_158, %gather3A : vector<16xf32>
          %swap3A_160 = arith.index_cast %add3A_137 : i32 to index
          %swap3A_161 = arith.constant 32 : index
          %swap3A_162 = tpu.vector_load %arg18[%swap3A_160, %swap3A_161] {strides = array<i32>} : memref<128x128xf32, #tpu.memory_space<vmem>>, vector<16xf32>,
          tpu.vector_store %arg18[%swap3A_160, %swap3A_161], %mul3A_159 {strides = array<i32>} : memref<128x128xf32, #tpu.memory_space<vmem>>, vector<16xf32>,
          %get3A_163 = arith.index_cast %add3A_137 : i32 to index
          %get3A_164 = arith.constant 48 : index
          %get3A_165 = tpu.vector_load %arg18[%get3A_163, %get3A_164] {strides = array<i32>} : memref<128x128xf32, #tpu.memory_space<vmem>>, vector<16xf32>,
          %mul3A_166 = arith.mulf %get3A_165, %gather3A : vector<16xf32>
          %swap3A_167 = arith.index_cast %add3A_137 : i32 to index
          %swap3A_168 = arith.constant 48 : index
          %swap3A_169 = tpu.vector_load %arg18[%swap3A_167, %swap3A_168] {strides = array<i32>} : memref<128x128xf32, #tpu.memory_space<vmem>>, vector<16xf32>,
          tpu.vector_store %arg18[%swap3A_167, %swap3A_168], %mul3A_166 {strides = array<i32>} : memref<128x128xf32, #tpu.memory_space<vmem>>, vector<16xf32>,
          %get3A_170 = arith.index_cast %add3A_137 : i32 to index
          %get3A_171 = arith.constant 64 : index
          %get3A_172 = tpu.vector_load %arg18[%get3A_170, %get3A_171] {strides = array<i32>} : memref<128x128xf32, #tpu.memory_space<vmem>>, vector<16xf32>,
          %mul3A_173 = arith.mulf %get3A_172, %gather3A : vector<16xf32>
          %swap3A_174 = arith.index_cast %add3A_137 : i32 to index
          %swap3A_175 = arith.constant 64 : index
          %swap3A_176 = tpu.vector_load %arg18[%swap3A_174, %swap3A_175] {strides = array<i32>} : memref<128x128xf32, #tpu.memory_space<vmem>>, vector<16xf32>,
          tpu.vector_store %arg18[%swap3A_174, %swap3A_175], %mul3A_173 {strides = array<i32>} : memref<128x128xf32, #tpu.memory_space<vmem>>, vector<16xf32>,
          %get3A_177 = arith.index_cast %add3A_137 : i32 to index
          %get3A_178 = arith.constant 80 : index
          %get3A_179 = tpu.vector_load %arg18[%get3A_177, %get3A_178] {strides = array<i32>} : memref<128x128xf32, #tpu.memory_space<vmem>>, vector<16xf32>,
          %mul3A_180 = arith.mulf %get3A_179, %gather3A : vector<16xf32>
          %swap3A_181 = arith.index_cast %add3A_137 : i32 to index
          %swap3A_182 = arith.constant 80 : index
          %swap3A_183 = tpu.vector_load %arg18[%swap3A_181, %swap3A_182] {strides = array<i32>} : memref<128x128xf32, #tpu.memory_space<vmem>>, vector<16xf32>,
          tpu.vector_store %arg18[%swap3A_181, %swap3A_182], %mul3A_180 {strides = array<i32>} : memref<128x128xf32, #tpu.memory_space<vmem>>, vector<16xf32>,
          %get3A_184 = arith.index_cast %add3A_137 : i32 to index
          %get3A_185 = arith.constant 96 : index
          %get3A_186 = tpu.vector_load %arg18[%get3A_184, %get3A_185] {strides = array<i32>} : memref<128x128xf32, #tpu.memory_space<vmem>>, vector<16xf32>,
          %mul3A_187 = arith.mulf %get3A_186, %gather3A : vector<16xf32>
          %swap3A_188 = arith.index_cast %add3A_137 : i32 to index
          %swap3A_189 = arith.constant 96 : index
          %swap3A_190 = tpu.vector_load %arg18[%swap3A_188, %swap3A_189] {strides = array<i32>} : memref<128x128xf32, #tpu.memory_space<vmem>>, vector<16xf32>,
          tpu.vector_store %arg18[%swap3A_188, %swap3A_189], %mul3A_187 {strides = array<i32>} : memref<128x128xf32, #tpu.memory_space<vmem>>, vector<16xf32>,
          %get3A_191 = arith.index_cast %add3A_137 : i32 to index
          %get3A_192 = arith.constant 112 : index
          %get3A_193 = tpu.vector_load %arg18[%get3A_191, %get3A_192] {strides = array<i32>} : memref<128x128xf32, #tpu.memory_space<vmem>>, vector<16xf32>,
          %mul3A_194 = arith.mulf %get3A_193, %gather3A : vector<16xf32>
          %swap3A_195 = arith.index_cast %add3A_137 : i32 to index
          %swap3A_196 = arith.constant 112 : index
          %swap3A_197 = tpu.vector_load %arg18[%swap3A_195, %swap3A_196] {strides = array<i32>} : memref<128x128xf32, #tpu.memory_space<vmem>>, vector<16xf32>,
          tpu.vector_store %arg18[%swap3A_195, %swap3A_196], %mul3A_194 {strides = array<i32>} : memref<128x128xf32, #tpu.memory_space<vmem>>, vector<16xf32>,
        }
        %scan3A_132 = arith.constant 128 : i32
        "tpu.region"() ({
          %run_scoped3A = tpu.sem_alloc : memref<!tpu.dma_semaphore, #tpu.memory_space<semaphore_mem>>
          %dma_start3A_133 = arith.constant 0 : i32
          %dma_start3A_134 = tpu.memref_slice %arg16[%add3A_127, %dma_start3A_133] : memref<34x128xi32, #tpu.memory_space<vmem>> -> memref<1x128xi32, #tpu.memory_space<vmem>>
          %dma_start3A_135 = tpu.memref_squeeze %dma_start3A_134 : memref<1x128xi32, #tpu.memory_space<vmem>> -> memref<128xi32, #tpu.memory_space<vmem>>
          %dma_start3A_136 = arith.constant 0 : i32
          %dma_start3A_137 = arith.constant 0 : i32
          %dma_start3A_138 = tpu.memref_slice %arg20[%dma_start3A_136, %dma_start3A_137] : memref<5040x128xf32, #tpu.memory_space<vmem_shared>> -> memref<5040x128xf32, #tpu.memory_space<vmem_shared>>
          tpu.enqueue_indirect_dma source(%arg18 : memref<128x128xf32, #tpu.memory_space<vmem>>) target(%dma_start3A_138 : memref<5040x128xf32, #tpu.memory_space<vmem_shared>>) offsets(%dma_start3A_135 : memref<128xi32, #tpu.memory_space<vmem>>) semaphore(%run_scoped3A : memref<!tpu.dma_semaphore, #tpu.memory_space<semaphore_mem>>) {add = true}
          %dma_wait3A_139 = arith.constant 0 : i32
          %dma_wait3A_140 = tpu.memref_slice %arg16[%add3A_127, %dma_wait3A_139] : memref<34x128xi32, #tpu.memory_space<vmem>> -> memref<1x128xi32, #tpu.memory_space<vmem>>
          %dma_wait3A_141 = tpu.memref_squeeze %dma_wait3A_140 : memref<1x128xi32, #tpu.memory_space<vmem>> -> memref<128xi32, #tpu.memory_space<vmem>>
          %dma_wait3A_142 = arith.constant 0 : i32
          %dma_wait3A_143 = arith.constant 0 : i32
          %dma_wait3A_144 = tpu.memref_slice %arg20[%dma_wait3A_142, %dma_wait3A_143] : memref<5040x128xf32, #tpu.memory_space<vmem_shared>> -> memref<5040x128xf32, #tpu.memory_space<vmem_shared>>
          tpu.wait_indirect_dma semaphore(%run_scoped3A : memref<!tpu.dma_semaphore, #tpu.memory_space<semaphore_mem>>) src(%arg18 : memref<128x128xf32, #tpu.memory_space<vmem>>) dst(%dma_wait3A_144 : memref<5040x128xf32, #tpu.memory_space<vmem_shared>>)
          tpu.yield
        }) : () -> ()
      }
      %scan3A_86 = arith.constant 9 : i32
      %gt3A = arith.constant 2304 : i32
      %gt3A_87 = arith.cmpi sgt, %scan3A_69, %gt3A : i32
      %convert_element_type3A = arith.extui %gt3A_87 : i1 to i32
      %cond3A = arith.constant 0 : i32
      %cond3A_88 = arith.cmpi ne, %convert_element_type3A, %cond3A : i32
      scf.if %cond3A_88 {
        %scan3A_89 = arith.constant 0 : i32
        %scan3A_90 = arith.constant 16 : i32
        %scan3A_91 = arith.addi %scan3A_89, %scan3A_90 : i32
        %scan3A_92 = arith.constant 1 : i32
        scf.for %scan3A_106 = %scan3A_89 to %scan3A_91 step %scan3A_92  : i32 {
          %mul3A_107 = arith.constant 1 : i32
          %mul3A_108 = arith.muli %scan3A_106, %mul3A_107 : i32
          %add3A_109 = arith.constant 18 : i32
          %add3A_110 = arith.addi %add3A_109, %mul3A_108 : i32
          %mul3A_111 = arith.constant 128 : i32
          %mul3A_112 = arith.muli %add3A_110, %mul3A_111 : i32
          %add3A_113 = arith.constant 0 : i32
          %add3A_114 = arith.addi %mul3A_112, %add3A_113 : i32
          %get3A = arith.index_cast %add3A_114 : i32 to index
          %get3A_115 = tpu.vector_load %arg12[%get3A] {strides = array<i32>} : memref<4352xi32, #tpu.memory_space<vmem>>, vector<16xi32>,
          %swap3A = arith.index_cast %add3A_110 : i32 to index
          %swap3A_116 = arith.constant 0 : index
          %swap3A_117 = tpu.vector_load %arg15[%swap3A, %swap3A_116] {strides = array<i32>} : memref<34x128xi32, #tpu.memory_space<vmem>>, vector<16xi32>,
          tpu.vector_store %arg15[%swap3A, %swap3A_116], %get3A_115 {strides = array<i32>} : memref<34x128xi32, #tpu.memory_space<vmem>>, vector<16xi32>,
          %mul3A_118 = arith.constant 128 : i32
          %mul3A_119 = arith.muli %add3A_110, %mul3A_118 : i32
          %add3A_120 = arith.constant 0 : i32
          %add3A_121 = arith.addi %mul3A_119, %add3A_120 : i32
          %get3A_122 = arith.index_cast %add3A_121 : i32 to index
          %get3A_123 = tpu.vector_load %arg13[%get3A_122] {strides = array<i32>} : memref<4352xi32, #tpu.memory_space<vmem>>, vector<16xi32>,
          %swap3A_124 = arith.index_cast %add3A_110 : i32 to index
          %swap3A_125 = arith.constant 0 : index
          %swap3A_126 = tpu.vector_load %arg16[%swap3A_124, %swap3A_125] {strides = array<i32>} : memref<34x128xi32, #tpu.memory_space<vmem>>, vector<16xi32>,
          tpu.vector_store %arg16[%swap3A_124, %swap3A_125], %get3A_123 {strides = array<i32>} : memref<34x128xi32, #tpu.memory_space<vmem>>, vector<16xi32>,
          %mul3A_127 = arith.constant 128 : i32
          %mul3A_128 = arith.muli %add3A_110, %mul3A_127 : i32
          %add3A_129 = arith.constant 16 : i32
          %add3A_130 = arith.addi %mul3A_128, %add3A_129 : i32
          %get3A_131 = arith.index_cast %add3A_130 : i32 to index
          %get3A_132 = tpu.vector_load %arg12[%get3A_131] {strides = array<i32>} : memref<4352xi32, #tpu.memory_space<vmem>>, vector<16xi32>,
          %swap3A_133 = arith.index_cast %add3A_110 : i32 to index
          %swap3A_134 = arith.constant 16 : index
          %swap3A_135 = tpu.vector_load %arg15[%swap3A_133, %swap3A_134] {strides = array<i32>} : memref<34x128xi32, #tpu.memory_space<vmem>>, vector<16xi32>,
          tpu.vector_store %arg15[%swap3A_133, %swap3A_134], %get3A_132 {strides = array<i32>} : memref<34x128xi32, #tpu.memory_space<vmem>>, vector<16xi32>,
          %mul3A_136 = arith.constant 128 : i32
          %mul3A_137 = arith.muli %add3A_110, %mul3A_136 : i32
          %add3A_138 = arith.constant 16 : i32
          %add3A_139 = arith.addi %mul3A_137, %add3A_138 : i32
          %get3A_140 = arith.index_cast %add3A_139 : i32 to index
          %get3A_141 = tpu.vector_load %arg13[%get3A_140] {strides = array<i32>} : memref<4352xi32, #tpu.memory_space<vmem>>, vector<16xi32>,
          %swap3A_142 = arith.index_cast %add3A_110 : i32 to index
          %swap3A_143 = arith.constant 16 : index
          %swap3A_144 = tpu.vector_load %arg16[%swap3A_142, %swap3A_143] {strides = array<i32>} : memref<34x128xi32, #tpu.memory_space<vmem>>, vector<16xi32>,
          tpu.vector_store %arg16[%swap3A_142, %swap3A_143], %get3A_141 {strides = array<i32>} : memref<34x128xi32, #tpu.memory_space<vmem>>, vector<16xi32>,
          %mul3A_145 = arith.constant 128 : i32
          %mul3A_146 = arith.muli %add3A_110, %mul3A_145 : i32
          %add3A_147 = arith.constant 32 : i32
          %add3A_148 = arith.addi %mul3A_146, %add3A_147 : i32
          %get3A_149 = arith.index_cast %add3A_148 : i32 to index
          %get3A_150 = tpu.vector_load %arg12[%get3A_149] {strides = array<i32>} : memref<4352xi32, #tpu.memory_space<vmem>>, vector<16xi32>,
          %swap3A_151 = arith.index_cast %add3A_110 : i32 to index
          %swap3A_152 = arith.constant 32 : index
          %swap3A_153 = tpu.vector_load %arg15[%swap3A_151, %swap3A_152] {strides = array<i32>} : memref<34x128xi32, #tpu.memory_space<vmem>>, vector<16xi32>,
          tpu.vector_store %arg15[%swap3A_151, %swap3A_152], %get3A_150 {strides = array<i32>} : memref<34x128xi32, #tpu.memory_space<vmem>>, vector<16xi32>,
          %mul3A_154 = arith.constant 128 : i32
          %mul3A_155 = arith.muli %add3A_110, %mul3A_154 : i32
          %add3A_156 = arith.constant 32 : i32
          %add3A_157 = arith.addi %mul3A_155, %add3A_156 : i32
          %get3A_158 = arith.index_cast %add3A_157 : i32 to index
          %get3A_159 = tpu.vector_load %arg13[%get3A_158] {strides = array<i32>} : memref<4352xi32, #tpu.memory_space<vmem>>, vector<16xi32>,
          %swap3A_160 = arith.index_cast %add3A_110 : i32 to index
          %swap3A_161 = arith.constant 32 : index
          %swap3A_162 = tpu.vector_load %arg16[%swap3A_160, %swap3A_161] {strides = array<i32>} : memref<34x128xi32, #tpu.memory_space<vmem>>, vector<16xi32>,
          tpu.vector_store %arg16[%swap3A_160, %swap3A_161], %get3A_159 {strides = array<i32>} : memref<34x128xi32, #tpu.memory_space<vmem>>, vector<16xi32>,
          %mul3A_163 = arith.constant 128 : i32
          %mul3A_164 = arith.muli %add3A_110, %mul3A_163 : i32
          %add3A_165 = arith.constant 48 : i32
          %add3A_166 = arith.addi %mul3A_164, %add3A_165 : i32
          %get3A_167 = arith.index_cast %add3A_166 : i32 to index
          %get3A_168 = tpu.vector_load %arg12[%get3A_167] {strides = array<i32>} : memref<4352xi32, #tpu.memory_space<vmem>>, vector<16xi32>,
          %swap3A_169 = arith.index_cast %add3A_110 : i32 to index
          %swap3A_170 = arith.constant 48 : index
          %swap3A_171 = tpu.vector_load %arg15[%swap3A_169, %swap3A_170] {strides = array<i32>} : memref<34x128xi32, #tpu.memory_space<vmem>>, vector<16xi32>,
          tpu.vector_store %arg15[%swap3A_169, %swap3A_170], %get3A_168 {strides = array<i32>} : memref<34x128xi32, #tpu.memory_space<vmem>>, vector<16xi32>,
          %mul3A_172 = arith.constant 128 : i32
          %mul3A_173 = arith.muli %add3A_110, %mul3A_172 : i32
          %add3A_174 = arith.constant 48 : i32
          %add3A_175 = arith.addi %mul3A_173, %add3A_174 : i32
          %get3A_176 = arith.index_cast %add3A_175 : i32 to index
          %get3A_177 = tpu.vector_load %arg13[%get3A_176] {strides = array<i32>} : memref<4352xi32, #tpu.memory_space<vmem>>, vector<16xi32>,
          %swap3A_178 = arith.index_cast %add3A_110 : i32 to index
          %swap3A_179 = arith.constant 48 : index
          %swap3A_180 = tpu.vector_load %arg16[%swap3A_178, %swap3A_179] {strides = array<i32>} : memref<34x128xi32, #tpu.memory_space<vmem>>, vector<16xi32>,
          tpu.vector_store %arg16[%swap3A_178, %swap3A_179], %get3A_177 {strides = array<i32>} : memref<34x128xi32, #tpu.memory_space<vmem>>, vector<16xi32>,
          %mul3A_181 = arith.constant 128 : i32
          %mul3A_182 = arith.muli %add3A_110, %mul3A_181 : i32
          %add3A_183 = arith.constant 64 : i32
          %add3A_184 = arith.addi %mul3A_182, %add3A_183 : i32
          %get3A_185 = arith.index_cast %add3A_184 : i32 to index
          %get3A_186 = tpu.vector_load %arg12[%get3A_185] {strides = array<i32>} : memref<4352xi32, #tpu.memory_space<vmem>>, vector<16xi32>,
          %swap3A_187 = arith.index_cast %add3A_110 : i32 to index
          %swap3A_188 = arith.constant 64 : index
          %swap3A_189 = tpu.vector_load %arg15[%swap3A_187, %swap3A_188] {strides = array<i32>} : memref<34x128xi32, #tpu.memory_space<vmem>>, vector<16xi32>,
          tpu.vector_store %arg15[%swap3A_187, %swap3A_188], %get3A_186 {strides = array<i32>} : memref<34x128xi32, #tpu.memory_space<vmem>>, vector<16xi32>,
          %mul3A_190 = arith.constant 128 : i32
          %mul3A_191 = arith.muli %add3A_110, %mul3A_190 : i32
          %add3A_192 = arith.constant 64 : i32
          %add3A_193 = arith.addi %mul3A_191, %add3A_192 : i32
          %get3A_194 = arith.index_cast %add3A_193 : i32 to index
          %get3A_195 = tpu.vector_load %arg13[%get3A_194] {strides = array<i32>} : memref<4352xi32, #tpu.memory_space<vmem>>, vector<16xi32>,
          %swap3A_196 = arith.index_cast %add3A_110 : i32 to index
          %swap3A_197 = arith.constant 64 : index
          %swap3A_198 = tpu.vector_load %arg16[%swap3A_196, %swap3A_197] {strides = array<i32>} : memref<34x128xi32, #tpu.memory_space<vmem>>, vector<16xi32>,
          tpu.vector_store %arg16[%swap3A_196, %swap3A_197], %get3A_195 {strides = array<i32>} : memref<34x128xi32, #tpu.memory_space<vmem>>, vector<16xi32>,
          %mul3A_199 = arith.constant 128 : i32
          %mul3A_200 = arith.muli %add3A_110, %mul3A_199 : i32
          %add3A_201 = arith.constant 80 : i32
          %add3A_202 = arith.addi %mul3A_200, %add3A_201 : i32
          %get3A_203 = arith.index_cast %add3A_202 : i32 to index
          %get3A_204 = tpu.vector_load %arg12[%get3A_203] {strides = array<i32>} : memref<4352xi32, #tpu.memory_space<vmem>>, vector<16xi32>,
          %swap3A_205 = arith.index_cast %add3A_110 : i32 to index
          %swap3A_206 = arith.constant 80 : index
          %swap3A_207 = tpu.vector_load %arg15[%swap3A_205, %swap3A_206] {strides = array<i32>} : memref<34x128xi32, #tpu.memory_space<vmem>>, vector<16xi32>,
          tpu.vector_store %arg15[%swap3A_205, %swap3A_206], %get3A_204 {strides = array<i32>} : memref<34x128xi32, #tpu.memory_space<vmem>>, vector<16xi32>,
          %mul3A_208 = arith.constant 128 : i32
          %mul3A_209 = arith.muli %add3A_110, %mul3A_208 : i32
          %add3A_210 = arith.constant 80 : i32
          %add3A_211 = arith.addi %mul3A_209, %add3A_210 : i32
          %get3A_212 = arith.index_cast %add3A_211 : i32 to index
          %get3A_213 = tpu.vector_load %arg13[%get3A_212] {strides = array<i32>} : memref<4352xi32, #tpu.memory_space<vmem>>, vector<16xi32>,
          %swap3A_214 = arith.index_cast %add3A_110 : i32 to index
          %swap3A_215 = arith.constant 80 : index
          %swap3A_216 = tpu.vector_load %arg16[%swap3A_214, %swap3A_215] {strides = array<i32>} : memref<34x128xi32, #tpu.memory_space<vmem>>, vector<16xi32>,
          tpu.vector_store %arg16[%swap3A_214, %swap3A_215], %get3A_213 {strides = array<i32>} : memref<34x128xi32, #tpu.memory_space<vmem>>, vector<16xi32>,
          %mul3A_217 = arith.constant 128 : i32
          %mul3A_218 = arith.muli %add3A_110, %mul3A_217 : i32
          %add3A_219 = arith.constant 96 : i32
          %add3A_220 = arith.addi %mul3A_218, %add3A_219 : i32
          %get3A_221 = arith.index_cast %add3A_220 : i32 to index
          %get3A_222 = tpu.vector_load %arg12[%get3A_221] {strides = array<i32>} : memref<4352xi32, #tpu.memory_space<vmem>>, vector<16xi32>,
          %swap3A_223 = arith.index_cast %add3A_110 : i32 to index
          %swap3A_224 = arith.constant 96 : index
          %swap3A_225 = tpu.vector_load %arg15[%swap3A_223, %swap3A_224] {strides = array<i32>} : memref<34x128xi32, #tpu.memory_space<vmem>>, vector<16xi32>,
          tpu.vector_store %arg15[%swap3A_223, %swap3A_224], %get3A_222 {strides = array<i32>} : memref<34x128xi32, #tpu.memory_space<vmem>>, vector<16xi32>,
          %mul3A_226 = arith.constant 128 : i32
          %mul3A_227 = arith.muli %add3A_110, %mul3A_226 : i32
          %add3A_228 = arith.constant 96 : i32
          %add3A_229 = arith.addi %mul3A_227, %add3A_228 : i32
          %get3A_230 = arith.index_cast %add3A_229 : i32 to index
          %get3A_231 = tpu.vector_load %arg13[%get3A_230] {strides = array<i32>} : memref<4352xi32, #tpu.memory_space<vmem>>, vector<16xi32>,
          %swap3A_232 = arith.index_cast %add3A_110 : i32 to index
          %swap3A_233 = arith.constant 96 : index
          %swap3A_234 = tpu.vector_load %arg16[%swap3A_232, %swap3A_233] {strides = array<i32>} : memref<34x128xi32, #tpu.memory_space<vmem>>, vector<16xi32>,
          tpu.vector_store %arg16[%swap3A_232, %swap3A_233], %get3A_231 {strides = array<i32>} : memref<34x128xi32, #tpu.memory_space<vmem>>, vector<16xi32>,
          %mul3A_235 = arith.constant 128 : i32
          %mul3A_236 = arith.muli %add3A_110, %mul3A_235 : i32
          %add3A_237 = arith.constant 112 : i32
          %add3A_238 = arith.addi %mul3A_236, %add3A_237 : i32
          %get3A_239 = arith.index_cast %add3A_238 : i32 to index
          %get3A_240 = tpu.vector_load %arg12[%get3A_239] {strides = array<i32>} : memref<4352xi32, #tpu.memory_space<vmem>>, vector<16xi32>,
          %swap3A_241 = arith.index_cast %add3A_110 : i32 to index
          %swap3A_242 = arith.constant 112 : index
          %swap3A_243 = tpu.vector_load %arg15[%swap3A_241, %swap3A_242] {strides = array<i32>} : memref<34x128xi32, #tpu.memory_space<vmem>>, vector<16xi32>,
          tpu.vector_store %arg15[%swap3A_241, %swap3A_242], %get3A_240 {strides = array<i32>} : memref<34x128xi32, #tpu.memory_space<vmem>>, vector<16xi32>,
          %mul3A_244 = arith.constant 128 : i32
          %mul3A_245 = arith.muli %add3A_110, %mul3A_244 : i32
          %add3A_246 = arith.constant 112 : i32
          %add3A_247 = arith.addi %mul3A_245, %add3A_246 : i32
          %get3A_248 = arith.index_cast %add3A_247 : i32 to index
          %get3A_249 = tpu.vector_load %arg13[%get3A_248] {strides = array<i32>} : memref<4352xi32, #tpu.memory_space<vmem>>, vector<16xi32>,
          %swap3A_250 = arith.index_cast %add3A_110 : i32 to index
          %swap3A_251 = arith.constant 112 : index
          %swap3A_252 = tpu.vector_load %arg16[%swap3A_250, %swap3A_251] {strides = array<i32>} : memref<34x128xi32, #tpu.memory_space<vmem>>, vector<16xi32>,
          tpu.vector_store %arg16[%swap3A_250, %swap3A_251], %get3A_249 {strides = array<i32>} : memref<34x128xi32, #tpu.memory_space<vmem>>, vector<16xi32>,
        }
        %scan3A_93 = arith.constant 16 : i32
        %dma_start3A_94 = arith.constant 18 : i32
        %dma_start3A_95 = arith.constant 0 : i32
        %dma_start3A_96 = tpu.memref_slice %arg15[%dma_start3A_94, %dma_start3A_95] : memref<34x128xi32, #tpu.memory_space<vmem>> -> memref<1x128xi32, #tpu.memory_space<vmem>>
        %dma_start3A_97 = tpu.memref_squeeze %dma_start3A_96 : memref<1x128xi32, #tpu.memory_space<vmem>> -> memref<128xi32, #tpu.memory_space<vmem>>
        %dma_start3A_98 = arith.constant 0 : i32
        %dma_start3A_99 = arith.constant 0 : i32
        %dma_start3A_100 = tpu.memref_slice %arg2[%dma_start3A_98, %dma_start3A_99] : memref<160000x128xf32, #tpu.memory_space<hbm>> -> memref<160000x128xf32, #tpu.memory_space<hbm>>
        tpu.enqueue_indirect_dma source(%dma_start3A_100 : memref<160000x128xf32, #tpu.memory_space<hbm>>) target(%arg17 : memref<128x128xf32, #tpu.memory_space<vmem>>) offsets(%dma_start3A_97 : memref<128xi32, #tpu.memory_space<vmem>>) semaphore(%arg21 : memref<!tpu.dma_semaphore, #tpu.memory_space<semaphore_mem>>)
        %scan3A_101 = arith.constant 0 : i32
        %scan3A_102 = arith.constant 8 : i32
        %scan3A_103 = arith.addi %scan3A_101, %scan3A_102 : i32
        %scan3A_104 = arith.constant 1 : i32
        scf.for %scan3A_106 = %scan3A_101 to %scan3A_103 step %scan3A_104  : i32 {
          %mul3A_107 = arith.constant 2 : i32
          %mul3A_108 = arith.muli %scan3A_106, %mul3A_107 : i32
          %add3A_109 = arith.constant 18 : i32
          %add3A_110 = arith.addi %add3A_109, %mul3A_108 : i32
          %add3A_111 = arith.constant 1 : i32
          %add3A_112 = arith.addi %add3A_110, %add3A_111 : i32
          %dma_start3A_113 = arith.constant 0 : i32
          %dma_start3A_114 = tpu.memref_slice %arg15[%add3A_112, %dma_start3A_113] : memref<34x128xi32, #tpu.memory_space<vmem>> -> memref<1x128xi32, #tpu.memory_space<vmem>>
          %dma_start3A_115 = tpu.memref_squeeze %dma_start3A_114 : memref<1x128xi32, #tpu.memory_space<vmem>> -> memref<128xi32, #tpu.memory_space<vmem>>
          %dma_start3A_116 = arith.constant 0 : i32
          %dma_start3A_117 = arith.constant 0 : i32
          %dma_start3A_118 = tpu.memref_slice %arg2[%dma_start3A_116, %dma_start3A_117] : memref<160000x128xf32, #tpu.memory_space<hbm>> -> memref<160000x128xf32, #tpu.memory_space<hbm>>
          tpu.enqueue_indirect_dma source(%dma_start3A_118 : memref<160000x128xf32, #tpu.memory_space<hbm>>) target(%arg18 : memref<128x128xf32, #tpu.memory_space<vmem>>) offsets(%dma_start3A_115 : memref<128xi32, #tpu.memory_space<vmem>>) semaphore(%arg22 : memref<!tpu.dma_semaphore, #tpu.memory_space<semaphore_mem>>)
          %dma_wait3A = arith.constant 0 : i32
          %dma_wait3A_119 = tpu.memref_slice %arg15[%add3A_110, %dma_wait3A] : memref<34x128xi32, #tpu.memory_space<vmem>> -> memref<1x128xi32, #tpu.memory_space<vmem>>
          %dma_wait3A_120 = tpu.memref_squeeze %dma_wait3A_119 : memref<1x128xi32, #tpu.memory_space<vmem>> -> memref<128xi32, #tpu.memory_space<vmem>>
          %dma_wait3A_121 = arith.constant 0 : i32
          %dma_wait3A_122 = arith.constant 0 : i32
          %dma_wait3A_123 = tpu.memref_slice %arg2[%dma_wait3A_121, %dma_wait3A_122] : memref<160000x128xf32, #tpu.memory_space<hbm>> -> memref<160000x128xf32, #tpu.memory_space<hbm>>
          tpu.wait_indirect_dma semaphore(%arg21 : memref<!tpu.dma_semaphore, #tpu.memory_space<semaphore_mem>>) src(%dma_wait3A_123 : memref<160000x128xf32, #tpu.memory_space<hbm>>) dst(%arg17 : memref<128x128xf32, #tpu.memory_space<vmem>>)
          %scan3A_124 = arith.constant 0 : i32
          %scan3A_125 = arith.constant 128 : i32
          %scan3A_126 = arith.addi %scan3A_124, %scan3A_125 : i32
          %scan3A_127 = arith.constant 1 : i32
          scf.for %scan3A_150 = %scan3A_124 to %scan3A_126 step %scan3A_127  : i32 {
            %mul3A_151 = arith.constant 1 : i32
            %mul3A_152 = arith.muli %scan3A_150, %mul3A_151 : i32
            %add3A_153 = arith.constant 0 : i32
            %add3A_154 = arith.addi %add3A_153, %mul3A_152 : i32
            %broadcast_in_dim3A = arith.constant 0 : i32
            %broadcast_in_dim3A_155 = vector.broadcast %broadcast_in_dim3A : i32 to vector<16xi32>
            %mul3A_156 = arith.constant 128 : i32
            %mul3A_157 = arith.muli %add3A_110, %mul3A_156 : i32
            %add3A_158 = arith.addi %mul3A_157, %add3A_154 : i32
            %add3A_159 = vector.broadcast %add3A_158 : i32 to vector<16xi32>
            %add3A_160 = arith.addi %broadcast_in_dim3A_155, %add3A_159 : vector<16xi32>
            %gather3A = tpu.vector_load_idx %arg14[%add3A_160] : memref<4352xf32, #tpu.memory_space<vmem>>[vector<16xi32>], vector<16xf32>,
            %get3A = arith.index_cast %add3A_154 : i32 to index
            %get3A_161 = arith.constant 0 : index
            %get3A_162 = tpu.vector_load %arg17[%get3A, %get3A_161] {strides = array<i32>} : memref<128x128xf32, #tpu.memory_space<vmem>>, vector<16xf32>,
            %mul3A_163 = arith.mulf %get3A_162, %gather3A : vector<16xf32>
            %swap3A = arith.index_cast %add3A_154 : i32 to index
            %swap3A_164 = arith.constant 0 : index
            %swap3A_165 = tpu.vector_load %arg17[%swap3A, %swap3A_164] {strides = array<i32>} : memref<128x128xf32, #tpu.memory_space<vmem>>, vector<16xf32>,
            tpu.vector_store %arg17[%swap3A, %swap3A_164], %mul3A_163 {strides = array<i32>} : memref<128x128xf32, #tpu.memory_space<vmem>>, vector<16xf32>,
            %get3A_166 = arith.index_cast %add3A_154 : i32 to index
            %get3A_167 = arith.constant 16 : index
            %get3A_168 = tpu.vector_load %arg17[%get3A_166, %get3A_167] {strides = array<i32>} : memref<128x128xf32, #tpu.memory_space<vmem>>, vector<16xf32>,
            %mul3A_169 = arith.mulf %get3A_168, %gather3A : vector<16xf32>
            %swap3A_170 = arith.index_cast %add3A_154 : i32 to index
            %swap3A_171 = arith.constant 16 : index
            %swap3A_172 = tpu.vector_load %arg17[%swap3A_170, %swap3A_171] {strides = array<i32>} : memref<128x128xf32, #tpu.memory_space<vmem>>, vector<16xf32>,
            tpu.vector_store %arg17[%swap3A_170, %swap3A_171], %mul3A_169 {strides = array<i32>} : memref<128x128xf32, #tpu.memory_space<vmem>>, vector<16xf32>,
            %get3A_173 = arith.index_cast %add3A_154 : i32 to index
            %get3A_174 = arith.constant 32 : index
            %get3A_175 = tpu.vector_load %arg17[%get3A_173, %get3A_174] {strides = array<i32>} : memref<128x128xf32, #tpu.memory_space<vmem>>, vector<16xf32>,
            %mul3A_176 = arith.mulf %get3A_175, %gather3A : vector<16xf32>
            %swap3A_177 = arith.index_cast %add3A_154 : i32 to index
            %swap3A_178 = arith.constant 32 : index
            %swap3A_179 = tpu.vector_load %arg17[%swap3A_177, %swap3A_178] {strides = array<i32>} : memref<128x128xf32, #tpu.memory_space<vmem>>, vector<16xf32>,
            tpu.vector_store %arg17[%swap3A_177, %swap3A_178], %mul3A_176 {strides = array<i32>} : memref<128x128xf32, #tpu.memory_space<vmem>>, vector<16xf32>,
            %get3A_180 = arith.index_cast %add3A_154 : i32 to index
            %get3A_181 = arith.constant 48 : index
            %get3A_182 = tpu.vector_load %arg17[%get3A_180, %get3A_181] {strides = array<i32>} : memref<128x128xf32, #tpu.memory_space<vmem>>, vector<16xf32>,
            %mul3A_183 = arith.mulf %get3A_182, %gather3A : vector<16xf32>
            %swap3A_184 = arith.index_cast %add3A_154 : i32 to index
            %swap3A_185 = arith.constant 48 : index
            %swap3A_186 = tpu.vector_load %arg17[%swap3A_184, %swap3A_185] {strides = array<i32>} : memref<128x128xf32, #tpu.memory_space<vmem>>, vector<16xf32>,
            tpu.vector_store %arg17[%swap3A_184, %swap3A_185], %mul3A_183 {strides = array<i32>} : memref<128x128xf32, #tpu.memory_space<vmem>>, vector<16xf32>,
            %get3A_187 = arith.index_cast %add3A_154 : i32 to index
            %get3A_188 = arith.constant 64 : index
            %get3A_189 = tpu.vector_load %arg17[%get3A_187, %get3A_188] {strides = array<i32>} : memref<128x128xf32, #tpu.memory_space<vmem>>, vector<16xf32>,
            %mul3A_190 = arith.mulf %get3A_189, %gather3A : vector<16xf32>
            %swap3A_191 = arith.index_cast %add3A_154 : i32 to index
            %swap3A_192 = arith.constant 64 : index
            %swap3A_193 = tpu.vector_load %arg17[%swap3A_191, %swap3A_192] {strides = array<i32>} : memref<128x128xf32, #tpu.memory_space<vmem>>, vector<16xf32>,
            tpu.vector_store %arg17[%swap3A_191, %swap3A_192], %mul3A_190 {strides = array<i32>} : memref<128x128xf32, #tpu.memory_space<vmem>>, vector<16xf32>,
            %get3A_194 = arith.index_cast %add3A_154 : i32 to index
            %get3A_195 = arith.constant 80 : index
            %get3A_196 = tpu.vector_load %arg17[%get3A_194, %get3A_195] {strides = array<i32>} : memref<128x128xf32, #tpu.memory_space<vmem>>, vector<16xf32>,
            %mul3A_197 = arith.mulf %get3A_196, %gather3A : vector<16xf32>
            %swap3A_198 = arith.index_cast %add3A_154 : i32 to index
            %swap3A_199 = arith.constant 80 : index
            %swap3A_200 = tpu.vector_load %arg17[%swap3A_198, %swap3A_199] {strides = array<i32>} : memref<128x128xf32, #tpu.memory_space<vmem>>, vector<16xf32>,
            tpu.vector_store %arg17[%swap3A_198, %swap3A_199], %mul3A_197 {strides = array<i32>} : memref<128x128xf32, #tpu.memory_space<vmem>>, vector<16xf32>,
            %get3A_201 = arith.index_cast %add3A_154 : i32 to index
            %get3A_202 = arith.constant 96 : index
            %get3A_203 = tpu.vector_load %arg17[%get3A_201, %get3A_202] {strides = array<i32>} : memref<128x128xf32, #tpu.memory_space<vmem>>, vector<16xf32>,
            %mul3A_204 = arith.mulf %get3A_203, %gather3A : vector<16xf32>
            %swap3A_205 = arith.index_cast %add3A_154 : i32 to index
            %swap3A_206 = arith.constant 96 : index
            %swap3A_207 = tpu.vector_load %arg17[%swap3A_205, %swap3A_206] {strides = array<i32>} : memref<128x128xf32, #tpu.memory_space<vmem>>, vector<16xf32>,
            tpu.vector_store %arg17[%swap3A_205, %swap3A_206], %mul3A_204 {strides = array<i32>} : memref<128x128xf32, #tpu.memory_space<vmem>>, vector<16xf32>,
            %get3A_208 = arith.index_cast %add3A_154 : i32 to index
            %get3A_209 = arith.constant 112 : index
            %get3A_210 = tpu.vector_load %arg17[%get3A_208, %get3A_209] {strides = array<i32>} : memref<128x128xf32, #tpu.memory_space<vmem>>, vector<16xf32>,
            %mul3A_211 = arith.mulf %get3A_210, %gather3A : vector<16xf32>
            %swap3A_212 = arith.index_cast %add3A_154 : i32 to index
            %swap3A_213 = arith.constant 112 : index
            %swap3A_214 = tpu.vector_load %arg17[%swap3A_212, %swap3A_213] {strides = array<i32>} : memref<128x128xf32, #tpu.memory_space<vmem>>, vector<16xf32>,
            tpu.vector_store %arg17[%swap3A_212, %swap3A_213], %mul3A_211 {strides = array<i32>} : memref<128x128xf32, #tpu.memory_space<vmem>>, vector<16xf32>,
          }
          %scan3A_128 = arith.constant 128 : i32
          "tpu.region"() ({
            %run_scoped3A = tpu.sem_alloc : memref<!tpu.dma_semaphore, #tpu.memory_space<semaphore_mem>>
            %dma_start3A_150 = arith.constant 0 : i32
            %dma_start3A_151 = tpu.memref_slice %arg16[%add3A_110, %dma_start3A_150] : memref<34x128xi32, #tpu.memory_space<vmem>> -> memref<1x128xi32, #tpu.memory_space<vmem>>
            %dma_start3A_152 = tpu.memref_squeeze %dma_start3A_151 : memref<1x128xi32, #tpu.memory_space<vmem>> -> memref<128xi32, #tpu.memory_space<vmem>>
            %dma_start3A_153 = arith.constant 0 : i32
            %dma_start3A_154 = arith.constant 0 : i32
            %dma_start3A_155 = tpu.memref_slice %arg20[%dma_start3A_153, %dma_start3A_154] : memref<5040x128xf32, #tpu.memory_space<vmem_shared>> -> memref<5040x128xf32, #tpu.memory_space<vmem_shared>>
            tpu.enqueue_indirect_dma source(%arg17 : memref<128x128xf32, #tpu.memory_space<vmem>>) target(%dma_start3A_155 : memref<5040x128xf32, #tpu.memory_space<vmem_shared>>) offsets(%dma_start3A_152 : memref<128xi32, #tpu.memory_space<vmem>>) semaphore(%run_scoped3A : memref<!tpu.dma_semaphore, #tpu.memory_space<semaphore_mem>>) {add = true}
            %dma_wait3A_156 = arith.constant 0 : i32
            %dma_wait3A_157 = tpu.memref_slice %arg16[%add3A_110, %dma_wait3A_156] : memref<34x128xi32, #tpu.memory_space<vmem>> -> memref<1x128xi32, #tpu.memory_space<vmem>>
            %dma_wait3A_158 = tpu.memref_squeeze %dma_wait3A_157 : memref<1x128xi32, #tpu.memory_space<vmem>> -> memref<128xi32, #tpu.memory_space<vmem>>
            %dma_wait3A_159 = arith.constant 0 : i32
            %dma_wait3A_160 = arith.constant 0 : i32
            %dma_wait3A_161 = tpu.memref_slice %arg20[%dma_wait3A_159, %dma_wait3A_160] : memref<5040x128xf32, #tpu.memory_space<vmem_shared>> -> memref<5040x128xf32, #tpu.memory_space<vmem_shared>>
            tpu.wait_indirect_dma semaphore(%run_scoped3A : memref<!tpu.dma_semaphore, #tpu.memory_space<semaphore_mem>>) src(%arg17 : memref<128x128xf32, #tpu.memory_space<vmem>>) dst(%dma_wait3A_161 : memref<5040x128xf32, #tpu.memory_space<vmem_shared>>)
            tpu.yield
          }) : () -> ()
          %add3A_129 = arith.constant 2 : i32
          %add3A_130 = arith.addi %add3A_110, %add3A_129 : i32
          %lt3A = arith.constant 34 : i32
          %lt3A_131 = arith.cmpi slt, %add3A_130, %lt3A : i32
          %convert_element_type3A_132 = arith.extui %lt3A_131 : i1 to i32
          %cond3A_133 = arith.constant 0 : i32
          %cond3A_134 = arith.cmpi ne, %convert_element_type3A_132, %cond3A_133 : i32
          scf.if %cond3A_134 {
            %add3A_150 = arith.constant 2 : i32
            %add3A_151 = arith.addi %add3A_110, %add3A_150 : i32
            %dma_start3A_152 = arith.constant 0 : i32
            %dma_start3A_153 = tpu.memref_slice %arg15[%add3A_151, %dma_start3A_152] : memref<34x128xi32, #tpu.memory_space<vmem>> -> memref<1x128xi32, #tpu.memory_space<vmem>>
            %dma_start3A_154 = tpu.memref_squeeze %dma_start3A_153 : memref<1x128xi32, #tpu.memory_space<vmem>> -> memref<128xi32, #tpu.memory_space<vmem>>
            %dma_start3A_155 = arith.constant 0 : i32
            %dma_start3A_156 = arith.constant 0 : i32
            %dma_start3A_157 = tpu.memref_slice %arg2[%dma_start3A_155, %dma_start3A_156] : memref<160000x128xf32, #tpu.memory_space<hbm>> -> memref<160000x128xf32, #tpu.memory_space<hbm>>
            tpu.enqueue_indirect_dma source(%dma_start3A_157 : memref<160000x128xf32, #tpu.memory_space<hbm>>) target(%arg17 : memref<128x128xf32, #tpu.memory_space<vmem>>) offsets(%dma_start3A_154 : memref<128xi32, #tpu.memory_space<vmem>>) semaphore(%arg21 : memref<!tpu.dma_semaphore, #tpu.memory_space<semaphore_mem>>)
          } else {
          }
          %add3A_135 = arith.constant 1 : i32
          %add3A_136 = arith.addi %add3A_110, %add3A_135 : i32
          %dma_wait3A_137 = arith.constant 0 : i32
          %dma_wait3A_138 = tpu.memref_slice %arg15[%add3A_136, %dma_wait3A_137] : memref<34x128xi32, #tpu.memory_space<vmem>> -> memref<1x128xi32, #tpu.memory_space<vmem>>
          %dma_wait3A_139 = tpu.memref_squeeze %dma_wait3A_138 : memref<1x128xi32, #tpu.memory_space<vmem>> -> memref<128xi32, #tpu.memory_space<vmem>>
          %dma_wait3A_140 = arith.constant 0 : i32
          %dma_wait3A_141 = arith.constant 0 : i32
          %dma_wait3A_142 = tpu.memref_slice %arg2[%dma_wait3A_140, %dma_wait3A_141] : memref<160000x128xf32, #tpu.memory_space<hbm>> -> memref<160000x128xf32, #tpu.memory_space<hbm>>
          tpu.wait_indirect_dma semaphore(%arg22 : memref<!tpu.dma_semaphore, #tpu.memory_space<semaphore_mem>>) src(%dma_wait3A_142 : memref<160000x128xf32, #tpu.memory_space<hbm>>) dst(%arg18 : memref<128x128xf32, #tpu.memory_space<vmem>>)
          %add3A_143 = arith.constant 1 : i32
          %add3A_144 = arith.addi %add3A_110, %add3A_143 : i32
          %scan3A_145 = arith.constant 0 : i32
          %scan3A_146 = arith.constant 128 : i32
          %scan3A_147 = arith.addi %scan3A_145, %scan3A_146 : i32
          %scan3A_148 = arith.constant 1 : i32
          scf.for %scan3A_150 = %scan3A_145 to %scan3A_147 step %scan3A_148  : i32 {
            %mul3A_151 = arith.constant 1 : i32
            %mul3A_152 = arith.muli %scan3A_150, %mul3A_151 : i32
            %add3A_153 = arith.constant 0 : i32
            %add3A_154 = arith.addi %add3A_153, %mul3A_152 : i32
            %broadcast_in_dim3A = arith.constant 0 : i32
            %broadcast_in_dim3A_155 = vector.broadcast %broadcast_in_dim3A : i32 to vector<16xi32>
            %mul3A_156 = arith.constant 128 : i32
            %mul3A_157 = arith.muli %add3A_144, %mul3A_156 : i32
            %add3A_158 = arith.addi %mul3A_157, %add3A_154 : i32
            %add3A_159 = vector.broadcast %add3A_158 : i32 to vector<16xi32>
            %add3A_160 = arith.addi %broadcast_in_dim3A_155, %add3A_159 : vector<16xi32>
            %gather3A = tpu.vector_load_idx %arg14[%add3A_160] : memref<4352xf32, #tpu.memory_space<vmem>>[vector<16xi32>], vector<16xf32>,
            %get3A = arith.index_cast %add3A_154 : i32 to index
            %get3A_161 = arith.constant 0 : index
            %get3A_162 = tpu.vector_load %arg18[%get3A, %get3A_161] {strides = array<i32>} : memref<128x128xf32, #tpu.memory_space<vmem>>, vector<16xf32>,
            %mul3A_163 = arith.mulf %get3A_162, %gather3A : vector<16xf32>
            %swap3A = arith.index_cast %add3A_154 : i32 to index
            %swap3A_164 = arith.constant 0 : index
            %swap3A_165 = tpu.vector_load %arg18[%swap3A, %swap3A_164] {strides = array<i32>} : memref<128x128xf32, #tpu.memory_space<vmem>>, vector<16xf32>,
            tpu.vector_store %arg18[%swap3A, %swap3A_164], %mul3A_163 {strides = array<i32>} : memref<128x128xf32, #tpu.memory_space<vmem>>, vector<16xf32>,
            %get3A_166 = arith.index_cast %add3A_154 : i32 to index
            %get3A_167 = arith.constant 16 : index
            %get3A_168 = tpu.vector_load %arg18[%get3A_166, %get3A_167] {strides = array<i32>} : memref<128x128xf32, #tpu.memory_space<vmem>>, vector<16xf32>,
            %mul3A_169 = arith.mulf %get3A_168, %gather3A : vector<16xf32>
            %swap3A_170 = arith.index_cast %add3A_154 : i32 to index
            %swap3A_171 = arith.constant 16 : index
            %swap3A_172 = tpu.vector_load %arg18[%swap3A_170, %swap3A_171] {strides = array<i32>} : memref<128x128xf32, #tpu.memory_space<vmem>>, vector<16xf32>,
            tpu.vector_store %arg18[%swap3A_170, %swap3A_171], %mul3A_169 {strides = array<i32>} : memref<128x128xf32, #tpu.memory_space<vmem>>, vector<16xf32>,
            %get3A_173 = arith.index_cast %add3A_154 : i32 to index
            %get3A_174 = arith.constant 32 : index
            %get3A_175 = tpu.vector_load %arg18[%get3A_173, %get3A_174] {strides = array<i32>} : memref<128x128xf32, #tpu.memory_space<vmem>>, vector<16xf32>,
            %mul3A_176 = arith.mulf %get3A_175, %gather3A : vector<16xf32>
            %swap3A_177 = arith.index_cast %add3A_154 : i32 to index
            %swap3A_178 = arith.constant 32 : index
            %swap3A_179 = tpu.vector_load %arg18[%swap3A_177, %swap3A_178] {strides = array<i32>} : memref<128x128xf32, #tpu.memory_space<vmem>>, vector<16xf32>,
            tpu.vector_store %arg18[%swap3A_177, %swap3A_178], %mul3A_176 {strides = array<i32>} : memref<128x128xf32, #tpu.memory_space<vmem>>, vector<16xf32>,
            %get3A_180 = arith.index_cast %add3A_154 : i32 to index
            %get3A_181 = arith.constant 48 : index
            %get3A_182 = tpu.vector_load %arg18[%get3A_180, %get3A_181] {strides = array<i32>} : memref<128x128xf32, #tpu.memory_space<vmem>>, vector<16xf32>,
            %mul3A_183 = arith.mulf %get3A_182, %gather3A : vector<16xf32>
            %swap3A_184 = arith.index_cast %add3A_154 : i32 to index
            %swap3A_185 = arith.constant 48 : index
            %swap3A_186 = tpu.vector_load %arg18[%swap3A_184, %swap3A_185] {strides = array<i32>} : memref<128x128xf32, #tpu.memory_space<vmem>>, vector<16xf32>,
            tpu.vector_store %arg18[%swap3A_184, %swap3A_185], %mul3A_183 {strides = array<i32>} : memref<128x128xf32, #tpu.memory_space<vmem>>, vector<16xf32>,
            %get3A_187 = arith.index_cast %add3A_154 : i32 to index
            %get3A_188 = arith.constant 64 : index
            %get3A_189 = tpu.vector_load %arg18[%get3A_187, %get3A_188] {strides = array<i32>} : memref<128x128xf32, #tpu.memory_space<vmem>>, vector<16xf32>,
            %mul3A_190 = arith.mulf %get3A_189, %gather3A : vector<16xf32>
            %swap3A_191 = arith.index_cast %add3A_154 : i32 to index
            %swap3A_192 = arith.constant 64 : index
            %swap3A_193 = tpu.vector_load %arg18[%swap3A_191, %swap3A_192] {strides = array<i32>} : memref<128x128xf32, #tpu.memory_space<vmem>>, vector<16xf32>,
            tpu.vector_store %arg18[%swap3A_191, %swap3A_192], %mul3A_190 {strides = array<i32>} : memref<128x128xf32, #tpu.memory_space<vmem>>, vector<16xf32>,
            %get3A_194 = arith.index_cast %add3A_154 : i32 to index
            %get3A_195 = arith.constant 80 : index
            %get3A_196 = tpu.vector_load %arg18[%get3A_194, %get3A_195] {strides = array<i32>} : memref<128x128xf32, #tpu.memory_space<vmem>>, vector<16xf32>,
            %mul3A_197 = arith.mulf %get3A_196, %gather3A : vector<16xf32>
            %swap3A_198 = arith.index_cast %add3A_154 : i32 to index
            %swap3A_199 = arith.constant 80 : index
            %swap3A_200 = tpu.vector_load %arg18[%swap3A_198, %swap3A_199] {strides = array<i32>} : memref<128x128xf32, #tpu.memory_space<vmem>>, vector<16xf32>,
            tpu.vector_store %arg18[%swap3A_198, %swap3A_199], %mul3A_197 {strides = array<i32>} : memref<128x128xf32, #tpu.memory_space<vmem>>, vector<16xf32>,
            %get3A_201 = arith.index_cast %add3A_154 : i32 to index
            %get3A_202 = arith.constant 96 : index
            %get3A_203 = tpu.vector_load %arg18[%get3A_201, %get3A_202] {strides = array<i32>} : memref<128x128xf32, #tpu.memory_space<vmem>>, vector<16xf32>,
            %mul3A_204 = arith.mulf %get3A_203, %gather3A : vector<16xf32>
            %swap3A_205 = arith.index_cast %add3A_154 : i32 to index
            %swap3A_206 = arith.constant 96 : index
            %swap3A_207 = tpu.vector_load %arg18[%swap3A_205, %swap3A_206] {strides = array<i32>} : memref<128x128xf32, #tpu.memory_space<vmem>>, vector<16xf32>,
            tpu.vector_store %arg18[%swap3A_205, %swap3A_206], %mul3A_204 {strides = array<i32>} : memref<128x128xf32, #tpu.memory_space<vmem>>, vector<16xf32>,
            %get3A_208 = arith.index_cast %add3A_154 : i32 to index
            %get3A_209 = arith.constant 112 : index
            %get3A_210 = tpu.vector_load %arg18[%get3A_208, %get3A_209] {strides = array<i32>} : memref<128x128xf32, #tpu.memory_space<vmem>>, vector<16xf32>,
            %mul3A_211 = arith.mulf %get3A_210, %gather3A : vector<16xf32>
            %swap3A_212 = arith.index_cast %add3A_154 : i32 to index
            %swap3A_213 = arith.constant 112 : index
            %swap3A_214 = tpu.vector_load %arg18[%swap3A_212, %swap3A_213] {strides = array<i32>} : memref<128x128xf32, #tpu.memory_space<vmem>>, vector<16xf32>,
            tpu.vector_store %arg18[%swap3A_212, %swap3A_213], %mul3A_211 {strides = array<i32>} : memref<128x128xf32, #tpu.memory_space<vmem>>, vector<16xf32>,
          }
          %scan3A_149 = arith.constant 128 : i32
          "tpu.region"() ({
            %run_scoped3A = tpu.sem_alloc : memref<!tpu.dma_semaphore, #tpu.memory_space<semaphore_mem>>
            %dma_start3A_150 = arith.constant 0 : i32
            %dma_start3A_151 = tpu.memref_slice %arg16[%add3A_144, %dma_start3A_150] : memref<34x128xi32, #tpu.memory_space<vmem>> -> memref<1x128xi32, #tpu.memory_space<vmem>>
            %dma_start3A_152 = tpu.memref_squeeze %dma_start3A_151 : memref<1x128xi32, #tpu.memory_space<vmem>> -> memref<128xi32, #tpu.memory_space<vmem>>
            %dma_start3A_153 = arith.constant 0 : i32
            %dma_start3A_154 = arith.constant 0 : i32
            %dma_start3A_155 = tpu.memref_slice %arg20[%dma_start3A_153, %dma_start3A_154] : memref<5040x128xf32, #tpu.memory_space<vmem_shared>> -> memref<5040x128xf32, #tpu.memory_space<vmem_shared>>
            tpu.enqueue_indirect_dma source(%arg18 : memref<128x128xf32, #tpu.memory_space<vmem>>) target(%dma_start3A_155 : memref<5040x128xf32, #tpu.memory_space<vmem_shared>>) offsets(%dma_start3A_152 : memref<128xi32, #tpu.memory_space<vmem>>) semaphore(%run_scoped3A : memref<!tpu.dma_semaphore, #tpu.memory_space<semaphore_mem>>) {add = true}
            %dma_wait3A_156 = arith.constant 0 : i32
            %dma_wait3A_157 = tpu.memref_slice %arg16[%add3A_144, %dma_wait3A_156] : memref<34x128xi32, #tpu.memory_space<vmem>> -> memref<1x128xi32, #tpu.memory_space<vmem>>
            %dma_wait3A_158 = tpu.memref_squeeze %dma_wait3A_157 : memref<1x128xi32, #tpu.memory_space<vmem>> -> memref<128xi32, #tpu.memory_space<vmem>>
            %dma_wait3A_159 = arith.constant 0 : i32
            %dma_wait3A_160 = arith.constant 0 : i32
            %dma_wait3A_161 = tpu.memref_slice %arg20[%dma_wait3A_159, %dma_wait3A_160] : memref<5040x128xf32, #tpu.memory_space<vmem_shared>> -> memref<5040x128xf32, #tpu.memory_space<vmem_shared>>
            tpu.wait_indirect_dma semaphore(%run_scoped3A : memref<!tpu.dma_semaphore, #tpu.memory_space<semaphore_mem>>) src(%arg18 : memref<128x128xf32, #tpu.memory_space<vmem>>) dst(%dma_wait3A_161 : memref<5040x128xf32, #tpu.memory_space<vmem_shared>>)
            tpu.yield
          }) : () -> ()
        }
        %scan3A_105 = arith.constant 8 : i32
      } else {
      }
    }
    %scan3A_23 = arith.constant 5 : i32
    %barrier3A_24 = arith.constant 0 : index
    tpu.barrier barrier_id(%barrier3A_24)
    %sub3A_25 = arith.constant 125 : i32
    %sub3A_26 = arith.subi %sub3A_25, %arg1 : i32
    %sub3A_27 = arith.constant 16 : i32
    %sub3A_28 = arith.constant 1 : i32
    %sub3A_29 = arith.subi %sub3A_27, %sub3A_28 : i32
    %add3A_30 = arith.addi %sub3A_26, %sub3A_29 : i32
    %div3A_31 = arith.constant 16 : i32
    %div3A_32 = arith.divsi %add3A_30, %div3A_31 : i32
    %while3A_33 = arith.constant 16 : i32
    %while3A_34 = arith.constant 0 : i32
    %while3A_35 = arith.subi %div3A_32, %while3A_34 : i32
    %while3A_36 = arith.addi %while3A_34, %while3A_35 : i32
    %while3A_37 = arith.constant 1 : i32
    %while3A_38 = arith.divsi %while3A_35, %while3A_37 : i32
    %while3A_39 = arith.muli %while3A_38, %while3A_37 : i32
    %while3A_40 = arith.addi %while3A_34, %while3A_39 : i32
    %while3A_41 = arith.constant 1 : i32
    scf.for %while3A_43 = %while3A_34 to %while3A_40 step %while3A_41  : i32 {
      %mul3A_44 = arith.muli %while3A_43, %while3A_33 : i32
      %add3A_45 = arith.addi %arg1, %mul3A_44 : i32
      %mul3A_46 = arith.constant 40 : i32
      %mul3A_47 = arith.muli %add3A_45, %mul3A_46 : i32
      "tpu.region"() ({
        %run_scoped3A = tpu.sem_alloc : memref<!tpu.dma_semaphore, #tpu.memory_space<semaphore_mem>>
        %dma_start3A = arith.constant 0 : i32
        %dma_start3A_51 = tpu.memref_slice %arg20[%mul3A_47, %dma_start3A] : memref<5040x128xf32, #tpu.memory_space<vmem_shared>> -> memref<40x128xf32, #tpu.memory_space<vmem_shared>>
        %dma_start3A_52 = arith.constant 0 : i32
        %dma_start3A_53 = tpu.memref_slice %arg20[%mul3A_47, %dma_start3A_52] : memref<5040x128xf32, #tpu.memory_space<vmem_shared>> -> memref<40x128xf32, #tpu.memory_space<vmem_shared>>
        tpu.enqueue_dma source(%dma_start3A_53 : memref<40x128xf32, #tpu.memory_space<vmem_shared>>) target(%arg19 : memref<40x128xf32, #tpu.memory_space<vmem>>) target_semaphore(%run_scoped3A : memref<!tpu.dma_semaphore, #tpu.memory_space<semaphore_mem>>)
        %dma_wait3A = arith.constant 0 : i32
        %dma_wait3A_54 = tpu.memref_slice %arg20[%mul3A_47, %dma_wait3A] : memref<5040x128xf32, #tpu.memory_space<vmem_shared>> -> memref<40x128xf32, #tpu.memory_space<vmem_shared>>
        %dma_wait3A_55 = arith.constant 0 : i32
        %dma_wait3A_56 = tpu.memref_slice %arg20[%mul3A_47, %dma_wait3A_55] : memref<5040x128xf32, #tpu.memory_space<vmem_shared>> -> memref<40x128xf32, #tpu.memory_space<vmem_shared>>
        tpu.wait_dma2 semaphore(%run_scoped3A : memref<!tpu.dma_semaphore, #tpu.memory_space<semaphore_mem>>) src(%dma_wait3A_56 : memref<40x128xf32, #tpu.memory_space<vmem_shared>>) dst(%arg19 : memref<40x128xf32, #tpu.memory_space<vmem>>)
        tpu.yield
      }) : () -> ()
      %mul3A_48 = arith.constant 40 : i32
      %mul3A_49 = arith.muli %add3A_45, %mul3A_48 : i32
      %add3A_50 = arith.addi %mul3A_0, %mul3A_49 : i32
      "tpu.region"() ({
        %run_scoped3A = tpu.sem_alloc : memref<!tpu.dma_semaphore, #tpu.memory_space<semaphore_mem>>
        %dma_start3A = arith.constant 0 : i32
        %dma_start3A_51 = tpu.memref_slice %arg7[%add3A_50, %dma_start3A] : memref<10000x128xf32, #tpu.memory_space<hbm>> -> memref<40x128xf32, #tpu.memory_space<hbm>>
        %dma_start3A_52 = arith.constant 0 : i32
        %dma_start3A_53 = tpu.memref_slice %arg7[%add3A_50, %dma_start3A_52] : memref<10000x128xf32, #tpu.memory_space<hbm>> -> memref<40x128xf32, #tpu.memory_space<hbm>>
        tpu.enqueue_dma source(%arg19 : memref<40x128xf32, #tpu.memory_space<vmem>>) target(%dma_start3A_53 : memref<40x128xf32, #tpu.memory_space<hbm>>) target_semaphore(%run_scoped3A : memref<!tpu.dma_semaphore, #tpu.memory_space<semaphore_mem>>)
        %dma_wait3A = arith.constant 0 : i32
        %dma_wait3A_54 = tpu.memref_slice %arg7[%add3A_50, %dma_wait3A] : memref<10000x128xf32, #tpu.memory_space<hbm>> -> memref<40x128xf32, #tpu.memory_space<hbm>>
        %dma_wait3A_55 = arith.constant 0 : i32
        %dma_wait3A_56 = tpu.memref_slice %arg7[%add3A_50, %dma_wait3A_55] : memref<10000x128xf32, #tpu.memory_space<hbm>> -> memref<40x128xf32, #tpu.memory_space<hbm>>
        tpu.wait_dma2 semaphore(%run_scoped3A : memref<!tpu.dma_semaphore, #tpu.memory_space<semaphore_mem>>) src(%arg19 : memref<40x128xf32, #tpu.memory_space<vmem>>) dst(%dma_wait3A_56 : memref<40x128xf32, #tpu.memory_space<hbm>>)
        tpu.yield
      }) : () -> ()
    }
    %while3A_42 = arith.constant 1 : i32
    scf.for %while3A_43 = %while3A_40 to %while3A_36 step %while3A_42  : i32 {
      %mul3A_44 = arith.muli %while3A_43, %while3A_33 : i32
      %add3A_45 = arith.addi %arg1, %mul3A_44 : i32
      %mul3A_46 = arith.constant 40 : i32
      %mul3A_47 = arith.muli %add3A_45, %mul3A_46 : i32
      "tpu.region"() ({
        %run_scoped3A = tpu.sem_alloc : memref<!tpu.dma_semaphore, #tpu.memory_space<semaphore_mem>>
        %dma_start3A = arith.constant 0 : i32
        %dma_start3A_51 = tpu.memref_slice %arg20[%mul3A_47, %dma_start3A] : memref<5040x128xf32, #tpu.memory_space<vmem_shared>> -> memref<40x128xf32, #tpu.memory_space<vmem_shared>>
        %dma_start3A_52 = arith.constant 0 : i32
        %dma_start3A_53 = tpu.memref_slice %arg20[%mul3A_47, %dma_start3A_52] : memref<5040x128xf32, #tpu.memory_space<vmem_shared>> -> memref<40x128xf32, #tpu.memory_space<vmem_shared>>
        tpu.enqueue_dma source(%dma_start3A_53 : memref<40x128xf32, #tpu.memory_space<vmem_shared>>) target(%arg19 : memref<40x128xf32, #tpu.memory_space<vmem>>) target_semaphore(%run_scoped3A : memref<!tpu.dma_semaphore, #tpu.memory_space<semaphore_mem>>)
        %dma_wait3A = arith.constant 0 : i32
        %dma_wait3A_54 = tpu.memref_slice %arg20[%mul3A_47, %dma_wait3A] : memref<5040x128xf32, #tpu.memory_space<vmem_shared>> -> memref<40x128xf32, #tpu.memory_space<vmem_shared>>
        %dma_wait3A_55 = arith.constant 0 : i32
        %dma_wait3A_56 = tpu.memref_slice %arg20[%mul3A_47, %dma_wait3A_55] : memref<5040x128xf32, #tpu.memory_space<vmem_shared>> -> memref<40x128xf32, #tpu.memory_space<vmem_shared>>
        tpu.wait_dma2 semaphore(%run_scoped3A : memref<!tpu.dma_semaphore, #tpu.memory_space<semaphore_mem>>) src(%dma_wait3A_56 : memref<40x128xf32, #tpu.memory_space<vmem_shared>>) dst(%arg19 : memref<40x128xf32, #tpu.memory_space<vmem>>)
        tpu.yield
      }) : () -> ()
      %mul3A_48 = arith.constant 40 : i32
      %mul3A_49 = arith.muli %add3A_45, %mul3A_48 : i32
      %add3A_50 = arith.addi %mul3A_0, %mul3A_49 : i32
      "tpu.region"() ({
        %run_scoped3A = tpu.sem_alloc : memref<!tpu.dma_semaphore, #tpu.memory_space<semaphore_mem>>
        %dma_start3A = arith.constant 0 : i32
        %dma_start3A_51 = tpu.memref_slice %arg7[%add3A_50, %dma_start3A] : memref<10000x128xf32, #tpu.memory_space<hbm>> -> memref<40x128xf32, #tpu.memory_space<hbm>>
        %dma_start3A_52 = arith.constant 0 : i32
        %dma_start3A_53 = tpu.memref_slice %arg7[%add3A_50, %dma_start3A_52] : memref<10000x128xf32, #tpu.memory_space<hbm>> -> memref<40x128xf32, #tpu.memory_space<hbm>>
        tpu.enqueue_dma source(%arg19 : memref<40x128xf32, #tpu.memory_space<vmem>>) target(%dma_start3A_53 : memref<40x128xf32, #tpu.memory_space<hbm>>) target_semaphore(%run_scoped3A : memref<!tpu.dma_semaphore, #tpu.memory_space<semaphore_mem>>)
        %dma_wait3A = arith.constant 0 : i32
        %dma_wait3A_54 = tpu.memref_slice %arg7[%add3A_50, %dma_wait3A] : memref<10000x128xf32, #tpu.memory_space<hbm>> -> memref<40x128xf32, #tpu.memory_space<hbm>>
        %dma_wait3A_55 = arith.constant 0 : i32
        %dma_wait3A_56 = tpu.memref_slice %arg7[%add3A_50, %dma_wait3A_55] : memref<10000x128xf32, #tpu.memory_space<hbm>> -> memref<40x128xf32, #tpu.memory_space<hbm>>
        tpu.wait_dma2 semaphore(%run_scoped3A : memref<!tpu.dma_semaphore, #tpu.memory_space<semaphore_mem>>) src(%arg19 : memref<40x128xf32, #tpu.memory_space<vmem>>) dst(%dma_wait3A_56 : memref<40x128xf32, #tpu.memory_space<hbm>>)
        tpu.yield
      }) : () -> ()
    }
    return
  }
}

module attributes {stable_mosaic.version = 14 : i64} {
  func.func @_transform_body(%arg0: i32, %arg1: memref<10000x128xf32, #tpu.memory_space<vmem>>, %arg2: memref<16x8xf32, #tpu.memory_space<vmem>>, %arg3: memref<1x64x128xf32, #tpu.memory_space<vmem>>, %arg4: memref<1x10000x128xf32, #tpu.memory_space<vmem>>, %arg5: memref<10000x64xf32, #tpu.memory_space<vmem>>) attributes {dimension_semantics = [#tpu.dimension_semantics<arbitrary>], iteration_bounds = array<i64: 16>, scalar_prefetch = 0 : i64, scratch_operands = 1 : i64, tpu.core_type = #tpu.core_type<tc>, window_params = [{pipeline_mode = #tpu.pipeline_mode<synchronous>, transform_indices = @transform_0, window_bounds = array<i64: 10000, 128>}, {pipeline_mode = #tpu.pipeline_mode<synchronous>, transform_indices = @transform_1, window_bounds = array<i64: 16, 8>}, {transform_indices = @transform_2, window_bounds = array<i64: 1, 64, 128>}, {transform_indices = @transform_3, window_bounds = array<i64: 1, 10000, 128>}]} {
    %eq3A = arith.constant 0 : i32
    %eq3A_0 = arith.cmpi eq, %arg0, %eq3A : i32
    %convert_element_type3A = arith.extui %eq3A_0 : i1 to i32
    %cond3A = arith.constant 0 : i32
    %cond3A_1 = arith.cmpi ne, %convert_element_type3A, %cond3A : i32
    scf.if %cond3A_1 {
      %iota3A = tpu.iota {dimensions = array<i32: 0>} : vector<128x16xi32>
      %iota3A_15 = tpu.iota {dimensions = array<i32: 1>} : vector<128x16xi32>
      %jit3A = arith.constant 16 : i32
      %eq3A_16 = arith.constant 0 : i32
      %eq3A_17 = arith.cmpi eq, %jit3A, %eq3A_16 : i32
      %jit3A_18 = arith.constant 1 : i32
      %select_n3A = arith.select %eq3A_17, %jit3A_18, %jit3A : i32
      %rem3A = vector.broadcast %select_n3A : i32 to vector<128x16xi32>
      %rem3A_19 = arith.remsi %iota3A, %rem3A : vector<128x16xi32>
      %ne3A = arith.constant 0 : i32
      %ne3A_20 = vector.broadcast %ne3A : i32 to vector<128x16xi32>
      %ne3A_21 = arith.cmpi ne, %rem3A_19, %ne3A_20 : vector<128x16xi32>
      %lt3A = arith.constant 0 : i32
      %lt3A_22 = vector.broadcast %lt3A : i32 to vector<128x16xi32>
      %lt3A_23 = arith.cmpi slt, %rem3A_19, %lt3A_22 : vector<128x16xi32>
      %lt3A_24 = arith.constant 0 : i32
      %lt3A_25 = arith.cmpi slt, %select_n3A, %lt3A_24 : i32
      %ne3A_26 = vector.broadcast %lt3A_25 : i1 to vector<128x16xi1>
      %ne3A_27 = vector.broadcast %ne3A_26 : vector<128x16xi1> to vector<128x16xi1>
      %ne3A_28 = arith.xori %lt3A_23, %ne3A_27 : vector<128x16xi1>
      %and3A = arith.andi %ne3A_28, %ne3A_21 : vector<128x16xi1>
      %add3A = vector.broadcast %select_n3A : i32 to vector<128x16xi32>
      %add3A_29 = arith.addi %rem3A_19, %add3A : vector<128x16xi32>
      %select_n3A_30 = arith.select %and3A, %add3A_29, %rem3A_19 : vector<128x16xi1>, vector<128x16xi32>
      %eq3A_31 = arith.cmpi eq, %select_n3A_30, %iota3A_15 : vector<128x16xi32>
      %convert_element_type3A_32 = arith.extui %eq3A_31 : vector<128x16xi1> to vector<128x16xi32>
      %convert_element_type3A_33 = arith.sitofp %convert_element_type3A_32 : vector<128x16xi32> to vector<128x16xf32>
      %iota3A_34 = tpu.iota {dimensions = array<i32: 0>} : vector<8x64xi32>
      %iota3A_35 = tpu.iota {dimensions = array<i32: 1>} : vector<8x64xi32>
      %jit3A_36 = arith.constant 8 : i32
      %eq3A_37 = arith.constant 0 : i32
      %eq3A_38 = arith.cmpi eq, %jit3A_36, %eq3A_37 : i32
      %jit3A_39 = arith.constant 1 : i32
      %select_n3A_40 = arith.select %eq3A_38, %jit3A_39, %jit3A_36 : i32
      %rem3A_41 = vector.broadcast %select_n3A_40 : i32 to vector<8x64xi32>
      %rem3A_42 = arith.remsi %iota3A_35, %rem3A_41 : vector<8x64xi32>
      %ne3A_43 = arith.constant 0 : i32
      %ne3A_44 = vector.broadcast %ne3A_43 : i32 to vector<8x64xi32>
      %ne3A_45 = arith.cmpi ne, %rem3A_42, %ne3A_44 : vector<8x64xi32>
      %lt3A_46 = arith.constant 0 : i32
      %lt3A_47 = vector.broadcast %lt3A_46 : i32 to vector<8x64xi32>
      %lt3A_48 = arith.cmpi slt, %rem3A_42, %lt3A_47 : vector<8x64xi32>
      %lt3A_49 = arith.constant 0 : i32
      %lt3A_50 = arith.cmpi slt, %select_n3A_40, %lt3A_49 : i32
      %ne3A_51 = vector.broadcast %lt3A_50 : i1 to vector<8x64xi1>
      %ne3A_52 = vector.broadcast %ne3A_51 : vector<8x64xi1> to vector<8x64xi1>
      %ne3A_53 = arith.xori %lt3A_48, %ne3A_52 : vector<8x64xi1>
      %and3A_54 = arith.andi %ne3A_53, %ne3A_45 : vector<8x64xi1>
      %add3A_55 = vector.broadcast %select_n3A_40 : i32 to vector<8x64xi32>
      %add3A_56 = arith.addi %rem3A_42, %add3A_55 : vector<8x64xi32>
      %select_n3A_57 = arith.select %and3A_54, %add3A_56, %rem3A_42 : vector<8x64xi1>, vector<8x64xi32>
      %eq3A_58 = arith.cmpi eq, %select_n3A_57, %iota3A_34 : vector<8x64xi32>
      %convert_element_type3A_59 = arith.extui %eq3A_58 : vector<8x64xi1> to vector<8x64xi32>
      %convert_element_type3A_60 = arith.sitofp %convert_element_type3A_59 : vector<8x64xi32> to vector<8x64xf32>
      %get3A_61 = arith.constant 0 : index
      %get3A_62 = arith.constant 0 : index
      %get3A_63 = vector.load %arg2[%get3A_61, %get3A_62] : memref<16x8xf32, #tpu.memory_space<vmem>>, vector<16x8xf32>
      %dot_general3A_64 = arith.constant dense<0.000000e+00> : vector<16x64xf32>
      %dot_general3A_65 = tpu.matmul %get3A_63, %convert_element_type3A_60, %dot_general3A_64 {dimension_numbers = #tpu.dot_dimension_numbers<[1], [0], [0], [1], [0, 0, 1, 1], [], []>, transpose_lhs_hint = false} : vector<16x8xf32>, vector<8x64xf32>, vector<16x64xf32> -> vector<16x64xf32>
      %dot_general3A_66 = arith.constant dense<0.000000e+00> : vector<128x64xf32>
      %dot_general3A_67 = tpu.matmul %convert_element_type3A_33, %dot_general3A_65, %dot_general3A_66 {dimension_numbers = #tpu.dot_dimension_numbers<[1], [0], [0], [1], [0, 0, 1, 1], [], []>, transpose_lhs_hint = false} : vector<128x16xf32>, vector<16x64xf32>, vector<128x64xf32> -> vector<128x64xf32>
      %iota3A_68 = tpu.iota {dimensions = array<i32: 0>} : vector<128x64xi32>
      %iota3A_69 = tpu.iota {dimensions = array<i32: 1>} : vector<128x64xi32>
      %jit3A_70 = arith.constant 16 : i32
      %div3A = vector.broadcast %jit3A_70 : i32 to vector<128x64xi32>
      %div3A_71 = arith.divsi %iota3A_68, %div3A : vector<128x64xi32>
      %sign3A = arith.constant 0 : i32
      %sign3A_72 = vector.broadcast %sign3A : i32 to vector<128x64xi32>
      %sign3A_73 = arith.cmpi sgt, %iota3A_68, %sign3A_72 : vector<128x64xi32>
      %sign3A_74 = arith.extui %sign3A_73 : vector<128x64xi1> to vector<128x64xi32>
      %sign3A_75 = arith.constant 0 : i32
      %sign3A_76 = vector.broadcast %sign3A_75 : i32 to vector<128x64xi32>
      %sign3A_77 = arith.cmpi slt, %iota3A_68, %sign3A_76 : vector<128x64xi32>
      %sign3A_78 = arith.extui %sign3A_77 : vector<128x64xi1> to vector<128x64xi32>
      %sign3A_79 = arith.subi %sign3A_74, %sign3A_78 : vector<128x64xi32>
      %sign3A_80 = arith.constant 0 : i32
      %sign3A_81 = arith.cmpi sgt, %jit3A_70, %sign3A_80 : i32
      %sign3A_82 = arith.extui %sign3A_81 : i1 to i32
      %sign3A_83 = arith.constant 0 : i32
      %sign3A_84 = arith.cmpi slt, %jit3A_70, %sign3A_83 : i32
      %sign3A_85 = arith.extui %sign3A_84 : i1 to i32
      %sign3A_86 = arith.subi %sign3A_82, %sign3A_85 : i32
      %ne3A_87 = vector.broadcast %sign3A_86 : i32 to vector<128x64xi32>
      %ne3A_88 = arith.cmpi ne, %sign3A_79, %ne3A_87 : vector<128x64xi32>
      %rem3A_89 = vector.broadcast %jit3A_70 : i32 to vector<128x64xi32>
      %rem3A_90 = arith.remsi %iota3A_68, %rem3A_89 : vector<128x64xi32>
      %ne3A_91 = arith.constant 0 : i32
      %ne3A_92 = vector.broadcast %ne3A_91 : i32 to vector<128x64xi32>
      %ne3A_93 = arith.cmpi ne, %rem3A_90, %ne3A_92 : vector<128x64xi32>
      %and3A_94 = arith.andi %ne3A_88, %ne3A_93 : vector<128x64xi1>
      %sub3A = arith.constant 1 : i32
      %sub3A_95 = vector.broadcast %sub3A : i32 to vector<128x64xi32>
      %sub3A_96 = arith.subi %div3A_71, %sub3A_95 : vector<128x64xi32>
      %select_n3A_97 = arith.select %and3A_94, %sub3A_96, %div3A_71 : vector<128x64xi1>, vector<128x64xi32>
      %jit3A_98 = arith.constant 8 : i32
      %div3A_99 = vector.broadcast %jit3A_98 : i32 to vector<128x64xi32>
      %div3A_100 = arith.divsi %iota3A_69, %div3A_99 : vector<128x64xi32>
      %sign3A_101 = arith.constant 0 : i32
      %sign3A_102 = vector.broadcast %sign3A_101 : i32 to vector<128x64xi32>
      %sign3A_103 = arith.cmpi sgt, %iota3A_69, %sign3A_102 : vector<128x64xi32>
      %sign3A_104 = arith.extui %sign3A_103 : vector<128x64xi1> to vector<128x64xi32>
      %sign3A_105 = arith.constant 0 : i32
      %sign3A_106 = vector.broadcast %sign3A_105 : i32 to vector<128x64xi32>
      %sign3A_107 = arith.cmpi slt, %iota3A_69, %sign3A_106 : vector<128x64xi32>
      %sign3A_108 = arith.extui %sign3A_107 : vector<128x64xi1> to vector<128x64xi32>
      %sign3A_109 = arith.subi %sign3A_104, %sign3A_108 : vector<128x64xi32>
      %sign3A_110 = arith.constant 0 : i32
      %sign3A_111 = arith.cmpi sgt, %jit3A_98, %sign3A_110 : i32
      %sign3A_112 = arith.extui %sign3A_111 : i1 to i32
      %sign3A_113 = arith.constant 0 : i32
      %sign3A_114 = arith.cmpi slt, %jit3A_98, %sign3A_113 : i32
      %sign3A_115 = arith.extui %sign3A_114 : i1 to i32
      %sign3A_116 = arith.subi %sign3A_112, %sign3A_115 : i32
      %ne3A_117 = vector.broadcast %sign3A_116 : i32 to vector<128x64xi32>
      %ne3A_118 = arith.cmpi ne, %sign3A_109, %ne3A_117 : vector<128x64xi32>
      %rem3A_119 = vector.broadcast %jit3A_98 : i32 to vector<128x64xi32>
      %rem3A_120 = arith.remsi %iota3A_69, %rem3A_119 : vector<128x64xi32>
      %ne3A_121 = arith.constant 0 : i32
      %ne3A_122 = vector.broadcast %ne3A_121 : i32 to vector<128x64xi32>
      %ne3A_123 = arith.cmpi ne, %rem3A_120, %ne3A_122 : vector<128x64xi32>
      %and3A_124 = arith.andi %ne3A_118, %ne3A_123 : vector<128x64xi1>
      %sub3A_125 = arith.constant 1 : i32
      %sub3A_126 = vector.broadcast %sub3A_125 : i32 to vector<128x64xi32>
      %sub3A_127 = arith.subi %div3A_100, %sub3A_126 : vector<128x64xi32>
      %select_n3A_128 = arith.select %and3A_124, %sub3A_127, %div3A_100 : vector<128x64xi1>, vector<128x64xi32>
      %eq3A_129 = arith.cmpi eq, %select_n3A_97, %select_n3A_128 : vector<128x64xi32>
      %convert_element_type3A_130 = arith.extui %eq3A_129 : vector<128x64xi1> to vector<128x64xi32>
      %convert_element_type3A_131 = arith.sitofp %convert_element_type3A_130 : vector<128x64xi32> to vector<128x64xf32>
      %mul3A = arith.mulf %dot_general3A_67, %convert_element_type3A_131 : vector<128x64xf32>
      %get3A_132 = arith.constant 0 : index
      %get3A_133 = arith.constant 0 : index
      %get3A_134 = vector.load %arg1[%get3A_132, %get3A_133] : memref<10000x128xf32, #tpu.memory_space<vmem>>, vector<10000x128xf32>
      %dot_general3A_135 = arith.constant dense<0.000000e+00> : vector<10000x64xf32>
      %dot_general3A_136 = tpu.matmul %get3A_134, %mul3A, %dot_general3A_135 {dimension_numbers = #tpu.dot_dimension_numbers<[1], [0], [0], [1], [0, 0, 1, 1], [], []>, transpose_lhs_hint = false} : vector<10000x128xf32>, vector<128x64xf32>, vector<10000x64xf32> -> vector<10000x64xf32>
      %swap3A_137 = arith.constant 0 : index
      %swap3A_138 = arith.constant 0 : index
      %swap3A_139 = vector.load %arg5[%swap3A_137, %swap3A_138] : memref<10000x64xf32, #tpu.memory_space<vmem>>, vector<10000x64xf32>
      tpu.vector_store %arg5[%swap3A_137, %swap3A_138], %dot_general3A_136 {strides = array<i32>} : memref<10000x64xf32, #tpu.memory_space<vmem>>, vector<10000x64xf32>,
    } else {
    }
    %get3A = arith.constant 0 : index
    %get3A_2 = arith.constant 0 : index
    %get3A_3 = vector.load %arg5[%get3A, %get3A_2] : memref<10000x64xf32, #tpu.memory_space<vmem>>, vector<10000x64xf32>
    %get3A_4 = arith.constant 0 : index
    %get3A_5 = arith.constant 0 : index
    %get3A_6 = arith.constant 0 : index
    %get3A_7 = vector.load %arg3[%get3A_4, %get3A_5, %get3A_6] : memref<1x64x128xf32, #tpu.memory_space<vmem>>, vector<1x64x128xf32>
    %get3A_8 = vector.shape_cast %get3A_7 : vector<1x64x128xf32> to vector<64x128xf32>
    %dot_general3A = arith.constant dense<0.000000e+00> : vector<10000x128xf32>
    %dot_general3A_9 = tpu.matmul %get3A_3, %get3A_8, %dot_general3A {dimension_numbers = #tpu.dot_dimension_numbers<[1], [0], [0], [1], [0, 0, 1, 1], [], []>, transpose_lhs_hint = false} : vector<10000x64xf32>, vector<64x128xf32>, vector<10000x128xf32> -> vector<10000x128xf32>
    %swap3A = arith.constant 0 : index
    %swap3A_10 = arith.constant 0 : index
    %swap3A_11 = arith.constant 0 : index
    %swap3A_12 = vector.load %arg4[%swap3A, %swap3A_10, %swap3A_11] : memref<1x10000x128xf32, #tpu.memory_space<vmem>>, vector<1x10000x128xf32>
    %swap3A_13 = vector.shape_cast %swap3A_12 : vector<1x10000x128xf32> to vector<10000x128xf32>
    %swap3A_14 = vector.shape_cast %dot_general3A_9 : vector<10000x128xf32> to vector<1x10000x128xf32>
    tpu.vector_store %arg4[%swap3A, %swap3A_10, %swap3A_11], %swap3A_14 {strides = array<i32>} : memref<1x10000x128xf32, #tpu.memory_space<vmem>>, vector<1x10000x128xf32>,
    return
  }
  func.func @transform_0(%arg0: i32) -> (i32, i32) {
    %c0_i32 = arith.constant 0 : i32
    %c0_i32_0 = arith.constant 0 : i32
    %c0_i32_1 = arith.constant 0 : i32
    return %c0_i32, %c0_i32_0 : i32, i32
  }
  func.func @transform_1(%arg0: i32) -> (i32, i32) {
    %c0_i32 = arith.constant 0 : i32
    %c0_i32_0 = arith.constant 0 : i32
    %c0_i32_1 = arith.constant 0 : i32
    return %c0_i32, %c0_i32_0 : i32, i32
  }
  func.func @transform_2(%arg0: i32) -> (i32, i32, i32) {
    %c0_i32 = arith.constant 0 : i32
    %c0_i32_0 = arith.constant 0 : i32
    %c0_i32_1 = arith.constant 0 : i32
    return %arg0, %c0_i32, %c0_i32_0 : i32, i32, i32
  }
  func.func @transform_3(%arg0: i32) -> (i32, i32, i32) {
    %c0_i32 = arith.constant 0 : i32
    %c0_i32_0 = arith.constant 0 : i32
    %c0_i32_1 = arith.constant 0 : i32
    return %arg0, %c0_i32, %c0_i32_0 : i32, i32, i32
  }
}

</mosaic_0001>

<sc_bundles>
// kernel: kernel.4.cloned.1.call-start
scs
__scs_entry_jumppad:
0x0: {  	(pc) =	sbr.rel $0x88, $3  }
0x1: {  	(tag) =	ssettag $0x0;
	lr =	simm.s32 $0x1  }
0x2: {  	[smem:$0x3F9B] =	sst lr;
	_ =	strace $0xD0000000  }
0x3: {  	_ = 	snop  }
0x4: {  	_ = 	snop  }
0x5: {  	_ = 	snop  }
0x6: {  	_ = 	snop  }
0x7: {  	_ = 	snop  }
__scs_overlays_trampoline_lowered:
0x8: {  	[smem:$0x3FAA] =	sst s0  }
0x9: {  	[smem:$0x3FAB] =	sst s1  }
0xa: {  	[smem:$0x3FAC] =	sst s2  }
0xb: {  	[smem:$0x3FAD] =	sst s3  }
0xc: {  	[smem:$0x3FAE] =	sst s4  }
0xd: {  	[smem:$0x3FAF] =	sst s5  }
0xe: {  	[smem:$0x3FB0] =	sst s6  }
0xf: {  	[smem:$0x3FB1] =	sst s7  }
0x10: {  	[smem:$0x3FB2] =	sst s8  }
0x11: {  	[smem:$0x3FB3] =	sst s9;
	s0 =	simm.s32 @!p0 $0x0  }
0x12: {  	s1 =	sld [smem:$0x3F99];
	s0 =	simm.s32 @p0 $0x1  }
0x13: {  	[smem:$0x3FB4] =	sst s0;
	s0 =	simm.s32 @!p1 $0x0  }
0x14: {  	s2 =	sld [smem:$0x3F98];
	s0 =	simm.s32 @p1 $0x1  }
0x15: {  	[smem:$0x3FB5] =	sst s0;
	s0 =	simm.s32 @!p2 $0x0  }
0x16: {  	s3 =	sld [smem:$0x3FDB];
	s0 =	simm.s32 @p2 $0x1  }
0x17: {  	s4 =	simm.s32 $0x1BF5;
	[smem:$0x3FB7] =	sst s0  }
0x18: {  	s0 =	sld [smem:$0x3F9A];
	_ =	swait.ge [sflag:s4], $0x0  }
0x19: {  	s7 =	sld [smem:$0x3F9B]  }
0x1a: {  	s8 =	sadd.s32 $0xFFFFE003, lr  }
0x1b: {  	s9 =	sadd.s32 $0xFFFFFEF7, lr;
	s5 =	simm.s32 $0xFFFFFFFF;
	p2 =	slt.u32 s8, $0xFFFFF086  }
0x1c: {  	p1 =	slt.u32 s9, $0xF7A;
	s5 =	simm.s32 @!p2 $0x0  }
0x1d: {  	s5 =	simm.s32 @p1 $0x1;
	p0 =	seq.s32 s7, s2  }
0x1e: {  	s7 =	smul.u32 @!p0 $0xF7A, s2;
	p2 =	seq.s32 @!p0 s5, $0x0  }
0x1f: {  	s9 =	smul.u32 $0xF7A, s1;
	s8 =	simm.s32 @!p0 $0x1BF5;
	p2 =	por !p2, p0  }
0x20: {  	[sflag:s8] =	ssyncset.s32 @!p0 $0xFFFFF086;
	s6 =	sadd.s32 @!p0 s3, s7;
	s7 =	simm.s32 @!p0 $0x108  }
0x21: {  	s3 =	sadd.s32 s3, s9;
	s6 =	sadd.s32 @!p0 $0x88, s6;
	s7 =	simm.s32 @p2 $0x1082  }
0x22: {  	[simem:s7], [sflag:s8] =	dma.local @!p0 [hbm:s6], $0xF7A  }
0x23: {  	s9 =	sor.u32 $0xD0000000, s2;
	s6 =	simm.s32 $0x108;
	_ =	swait.ge @!p0 [sflag:s8], $0x0  }
0x24: {  	s3 =	sadd.s32 $0x88, s3;
	s6 =	simm.s32 @!p1 $0x1082;
	[sflag:s4] =	ssyncset.s32 $0xFFFFF086  }
0x25: {  	[simem:s6], [sflag:s4] =	dma.local [hbm:s3], $0xF7A  }
0x26: {  	[smem:$0x3F9B] =	sst s1;
	(tag) =	ssettag s2;
	_ =	strace s9  }
0x27: {  	s1 =	sld [smem:$0x3FAB]  }
0x28: {  	s2 =	sld [smem:$0x3FAC]  }
0x29: {  	s4 =	sld [smem:$0x3FAE]  }
0x2a: {  	p0 =	seq.s32 s5, $0x0;
	s5 =	sld [smem:$0x3FAF]  }
0x2b: {  	s6 =	sld [smem:$0x3FB0]  }
0x2c: {  	s7 =	sld [smem:$0x3FB1]  }
0x2d: {  	s3 =	simm.s32 $0x108;
	s8 =	sld [smem:$0x3FB2]  }
0x2e: {  	s3 =	simm.s32 @!p0 $0x1082;
	s9 =	sld [smem:$0x3FB3]  }
0x2f: {  	lr =	sadd.s32 s0, s3;
	s0 =	sld [smem:$0x3FAA]  }
0x30: {  	s3 =	sld [smem:$0x3FAD]  }
0x31: {  	[smem:$0x3FB6] =	sst s10  }
0x32: {  	s10 =	sld [smem:$0x3FB4];
	_ =	sdelay $0x3  }
0x33: {  	p0 =	seq.s32 s10, $0x1;
	s10 =	sld [smem:$0x3FB6];
	_ =	sdelay $0x3  }
0x34: {  	[smem:$0x3FB6] =	sst s10  }
0x35: {  	s10 =	sld [smem:$0x3FB5];
	_ =	sdelay $0x3  }
0x36: {  	p1 =	seq.s32 s10, $0x1;
	s10 =	sld [smem:$0x3FB6];
	_ =	sdelay $0x3  }
0x37: {  	[smem:$0x3FB6] =	sst s10  }
0x38: {  	s10 =	sld [smem:$0x3FB7]  }
0x39: {  	_ = 	snop;
	(pc) =	sbr.ind lr, $3  }
0x3a: {  	_ = 	snop  }
0x3b: {  	_ = 	snop  }
0x3c: {  	p2 =	seq.s32 s10, $0x1;
	s10 =	sld [smem:$0x3FB6]  }
0x3d: {  	_ =	shalt  }
0x3e: {  	_ =	shalt  }
0x3f: {  	_ =	shalt  }
0x40: {  	_ =	shalt  }
0x41: {  	_ =	shalt  }
0x42: {  	_ =	shalt  }
0x43: {  	_ =	shalt  }
0x44: {  	_ =	shalt  }
0x45: {  	_ =	shalt  }
0x46: {  	_ =	shalt  }
0x47: {  	_ =	shalt  }
0x48: {  	_ =	shalt  }
0x49: {  	_ =	shalt  }
0x4a: {  	_ =	shalt  }
0x4b: {  	_ =	shalt  }
0x4c: {  	_ =	shalt  }
0x4d: {  	_ =	shalt  }
0x4e: {  	_ =	shalt  }
0x4f: {  	_ =	shalt  }
0x50: {  	_ =	shalt  }
0x51: {  	_ =	shalt  }
0x52: {  	_ =	shalt  }
0x53: {  	_ =	shalt  }
0x54: {  	_ =	shalt  }
0x55: {  	_ =	shalt  }
0x56: {  	_ =	shalt  }
0x57: {  	_ =	shalt  }
0x58: {  	_ =	shalt  }
0x59: {  	_ =	shalt  }
0x5a: {  	_ =	shalt  }
0x5b: {  	_ =	shalt  }
0x5c: {  	_ =	shalt  }
0x5d: {  	_ =	shalt  }
0x5e: {  	_ =	shalt  }
0x5f: {  	_ =	shalt  }
0x60: {  	_ =	shalt  }
0x61: {  	_ =	shalt  }
0x62: {  	_ =	shalt  }
0x63: {  	_ =	shalt  }
0x64: {  	_ =	shalt  }
0x65: {  	_ =	shalt  }
0x66: {  	_ =	shalt  }
0x67: {  	_ =	shalt  }
0x68: {  	_ =	shalt  }
0x69: {  	_ =	shalt  }
0x6a: {  	_ =	shalt  }
0x6b: {  	_ =	shalt  }
0x6c: {  	_ =	shalt  }
0x6d: {  	_ =	shalt  }
0x6e: {  	_ =	shalt  }
0x6f: {  	_ =	shalt  }
0x70: {  	_ =	shalt  }
0x71: {  	_ =	shalt  }
0x72: {  	_ =	shalt  }
0x73: {  	_ =	shalt  }
0x74: {  	_ =	shalt  }
0x75: {  	_ =	shalt  }
0x76: {  	_ =	shalt  }
0x77: {  	_ =	shalt  }
0x78: {  	_ =	shalt  }
0x79: {  	_ =	shalt  }
0x7a: {  	_ =	shalt  }
0x7b: {  	_ =	shalt  }
0x7c: {  	_ =	shalt  }
0x7d: {  	_ =	shalt  }
0x7e: {  	_ =	shalt  }
0x7f: {  	_ =	shalt  }
0x80: {  	_ =	shalt  }
0x81: {  	_ =	shalt  }
0x82: {  	_ =	shalt  }
0x83: {  	_ =	shalt  }
0x84: {  	_ =	shalt  }
0x85: {  	_ =	shalt  }
0x86: {  	_ =	shalt  }
0x87: {  	_ =	shalt  }
.Lfunc_end0:
.L_simem_size_0:
called_computation_lowered:
.L_overlay_start_0:
0x88: {  	s2 =	sld [smem:$0x3FD9]  }
0x89: {  	s3 =	sld [smem:$0x3FFE];
	_ =	sdelay $0x1  }
0x8a: {  	s1 =	srdreg.scid  }
0x8b: {  	s0 =	sand.u32 $0x1, s1  }
0x8c: {  	s17 =	sshll.u32 s0, $0xA;
	s2 =	sadd.s32 s3, s2  }
0x8d: {  	s2 =	sadd.s32 s2, s17  }
0x8e: {  	[smem:$0x3FC2] =	sst s2  }
0x8f: {  	_ = 	snop  }
0x90: {  	s2 =	sld [smem:$0x3FD0];
	(tm) =	ssettm $0x1  }
0x91: {  	s18 =	sld [smem:$0x3FFB];
	_ =	sdelay $0x3  }
0x92: {  	_ =	strace s18  }
0x93: {  	s3 =	sld [smem:$0x3FFC];
	_ =	sdelay $0x3  }
0x94: {  	_ =	strace s3  }
0x95: {  	s3 =	sld [smem:$0x3FFD];
	_ =	sdelay $0x3  }
0x96: {  	_ =	strace s3  }
0x97: {  	_ =	strace $0x8FFFFFFF  }
0x98: {  	s19 =	sld [smem:$0x3FDB];
	_ =	sdelay $0x1  }
0x99: {  	s4 =	simm.s32 $_scs_section_size  }
0x9a: {  	s5 =	simm.s32 $_size__tile_overlayer_lowered;
	s6 =	simm.s32 $_tile_overlayer_lowered  }
0x9b: {  	s22 =	simm.s32 $0x1BFF;
	s21 =	sshll.u32 s6, $0x1;
	s3 =	sadd.s32 s4, s19  }
0x9c: {  	s7 =	simm.s32 $0x0;
	s20 =	sshll.u32 s5, $0x1;
	s5 =	sadd.s32 s21, s3  }
0x9d: {  	[timem:s7], [sflag:s22] =	dma.local [hbm:s5], s20  }
0x9e: {  	_ =	swait.ge [sflag:s22], s20  }
0x9f: {  	s4 =	ssub.s32 $0x0, s20;
	[sflag:s22] =	ssyncset.done $0x0  }
0xa0: {  	[sflag:s22] =	ssyncadd.s32 s4;
	_ =	sdelay $0x1  }
0xa1: {  	s23 =	simm.s32 $0x1B8B  }
0xa2: {  	_ =	swait.ge [sflag:s23], $0x1  }
0xa3: {  	[sflag:s23] =	ssyncset.done $0x0  }
0xa4: {  	s25 =	simm.s32 $0x1B8E;
	s24 =	sld [smem:$0x3FFE];
	[sflag:s23] =	ssyncadd.s32 $0xFFFFFFFF  }
0xa5: {  	s26 =	simm.s32 $execute0_lowered;
	[smem:$0x3FD2] =	sst s25  }
0xa6: {  	s5 =	sshll.u32 s26, $0x1;
	_ =	strace $0x80000046;
	[dreg:$0x1] =	wrdreg $0xFFFFFFFF  }
0xa7: {  	s28 =	simm.s32 $_size_execute0_lowered;
	s3 =	sadd.s32 s3, s5;
	[dreg:$0x0] =	wrdreg $0x0  }
0xa8: {  	s5 =	sshll.u32 s28, $0x1;
	[dreg:$0x2] =	wrdreg s3  }
0xa9: {  	[dreg:$0x3] =	wrdreg s5  }
0xaa: {  	[dreg:$0x4] =	wrdreg $0xC0  }
0xab: {  	_ =	task [dreg:s7], $0x5FFFF  }
0xac: {  	[dreg:$0x1] =	wrdreg $0xFFFFFFFF  }
0xad: {  	[dreg:$0x0] =	wrdreg $0x60  }
0xae: {  	[dreg:$0x2] =	wrdreg s24  }
0xaf: {  	[dreg:$0x3] =	wrdreg s2  }
0xb0: {  	[dreg:$0x4] =	wrdreg $0x12F000  }
0xb1: {  	[dreg:$0x5] =	wrdreg $0x9  }
0xb2: {  	_ =	task.clear_ibuf [dreg:s7], $0x6FFFF;
	_ =	strace $0x90000046  }
0xb3: {  	s29 =	simm.s32 $0x9;
	_ =	strace $0x80000048  }
0xb4: {  	_ =	swait.ge [sflag:s29], $0x1  }
0xb5: {  	[sflag:s29] =	ssyncadd.s32 $0xFFFFFFFF  }
0xb6: {  	_ =	strace $0x90000048  }
0xb7: {  	_ =	sfence  }
0xb8: {  	s30 =	sld [smem:$0x0];
	_ =	sdelay $0x2  }
0xb9: {  	s31 =	sshll.u32 s1, $0xD;
	s1 =	sshrl.u32 s1, $0x2  }
0xba: {  	s3 =	sand.u32 $0x4000, s31;
	s1 =	sadd.s32 s1, s30  }
0xbb: {  	s0 =	sor.u32 s3, s0;
	s1 =	sshll.u32 s1, $0x11  }
0xbc: {  	s0 =	sor.u32 s1, s0  }
0xbd: {  	s0 =	sadd.s32 $0x8F2B, s0  }
0xbe: {  	[sflag:s0] =	ssyncadd.remote.s32 $0x1  }
0xbf: {  	_ =	sfence.sel $0xFFFF  }
0xc0: {  	[dreg:$0x0] =	wrdreg $0xFFFFFFFF;
	(pc) =	sbr.abs _section_cstart, $3  }
0xc1: {  	[dreg:$0x1] =	wrdreg $0xFFFFFFFF  }
0xc2: {  	_ =	task.clear_ibuf [dreg:s7], $0x2FFFF;
	_ =	strace $0x9FFFFFFF  }
0xc3: {  	(tm) =	ssettm $0x7FFFFFFF  }
tec
execute0_lowered:
.L_overlay_start_1:
0x0: {  	(tag) =	ssettag $0x1  }
0x1: {  	s0 =	rddreg [dreg:$0x0]  }
0x2: {  	s5 =	rddreg [dreg:$0x1]  }
0x3: {  	s1 =	rddreg [dreg:$0x2];
	s2 =	simm.s32 $0x0;
	s8 =	srdreg.scid  }
0x4: {  	s14 =	stileid.u32;
	s15 =	simm.s32 $0x11B00;
	s16 =	simm.s32 $0x3  }
0x5: {  	s17 =	simm.s32 $0x1000;
	s18 =	simm.s32 $0x2000;
	s19 =	simm.s32 $0x3000  }
0x6: {  	s20 =	simm.s32 $0x7300;
	s21 =	simm.s32 $0x9B00;
	s22 =	simm.s32 $0x80  }
0x7: {  	s23 =	simm.s32 $0xDB00;
	s24 =	simm.s32 $0x1;
	s30 =	simm.s32 $0x0  }
0x8: {  	[smem:$0x7FF] =	sst s2;
	s3 =	sadd.s32 $0x28400, s0;
	s4 =	sadd.s32 $0x14400, s0  }
0x9: {  	s6 =	sadd.s32 $0x400, s0;
	s7 =	sadd.s32 $0xA400, s0;
	s9 =	sand.u32 $0x1, s8  }
0xa: {  	s8 =	sadd.s32 $0x1E400, s0;
	s12 =	ssub.s32 $0x8D, s14;
	s28 =	sadd.s32 $0x1388, s14  }
0xb: {  	s13 =	ssub.s32 $0x8C, s14;
	s25 =	ssub.s32 $0x2, s9;
	s11 =	smul.u32 $0x1388, s9  }
0xc: {  	_ =	strace $0x80000047;
	s9 =	smul.u32 $0x13880, s9;
	s10 =	sshrl.u32 s25, $0x1  }
0xd: {  	s26 =	sshrl.u32 s12, $0x4;
	s0 =	ssub.s32 s25, s10;
	s10 =	smul.u32 $0x5000, s14  }
0xe: {  	s13 =	sshrl.u32 s13, $0x4;
	[dreg:$0x4] =	wrdreg s26;
	s14 =	smul.u32 $0x280, s14  }
0xf: {  	[dreg:$0x5] =	wrdreg s13;
	s31 =	sadd.s32 s9, s5;
	s0 =	smax.u32 s0, $0x1  }
0x10: {  	s29 =	sshrl.u32 s10, $0x2;
	[dreg:$0x6] =	wrdreg s0;
	s0 =	sadd.s32 s14, s31  }
0x11: {  	v2 =	vimm.f32 $0.0e+00;
	v3 =	vlaneseq.u32;
	s26 =	simm.s32 $0x2;
	s13 =	sadd.s32 s29, s1;
	[dreg:$0x8] =	wrdreg s0  }
0x12: {  	v4 =	vimm.s32 $0x0;
	v0 =	vmov s28;
	v1 =	vmov s11;
	s25 =	simm.s32 $0x6200;
	s5 =	simm.s32 $0x0;
	[dreg:$0x7] =	wrdreg s13  }
.LBB2_1:
0x13: {  	[dreg:$0x9] =	wrdreg s5;
	s0 =	simm.s32 $0x0;
	s5 =	simm.s32 $0x200  }
.LBB2_2:
0x14: {  	p0 =	sne.s32 s5, $0x4E00;
	[tilespmem:s0+$0x11B70] =	vst v2  }
0x15: {  	[tilespmem:s0+$0x11B00] =	vst v2  }
0x16: {  	[tilespmem:s0+$0x11B10] =	vst v2  }
.Ltmp0:
0x17: {  	[tilespmem:s0+$0x11B20] =	vst v2;
	(pc) =	sbr.rel @p0 .LBB2_2-.Ltmp0, $4  }
0x18: {  	[tilespmem:s0+$0x11B30] =	vst v2  }
0x19: {  	[tilespmem:s0+$0x11B40] =	vst v2  }
0x1a: {  	[tilespmem:s0+$0x11B50] =	vst v2  }
0x1b: {  	[tilespmem:s0+$0x11B60] =	vst v2;
	s0 =	sshra.s32 s5, $0x2;
	s5 =	sadd.s32 $0x200, s5  }
0x1c: {  	[tilespmem:s0+$0x11B70] =	vst v2  }
0x1d: {  	[tilespmem:s0+$0x11B00] =	vst v2  }
0x1e: {  	[tilespmem:s0+$0x11B10] =	vst v2  }
0x1f: {  	[tilespmem:s0+$0x11B20] =	vst v2  }
0x20: {  	[tilespmem:s0+$0x11B30] =	vst v2;
	s31 =	rddreg [dreg:$0x4]  }
0x21: {  	[tilespmem:s0+$0x11B40] =	vst v2;
	p0 =	sne.s32 s31, $0x1  }
.Ltmp1:
0x22: {  	[tilespmem:s0+$0x11B50] =	vst v2;
	(pc) =	sbr.rel @!p0 .LBB2_5-.Ltmp1, $4  }
0x23: {  	[tilespmem:s0+$0x11B60] =	vst v2  }
0x24: {  	[spmem:s13] =	stream.linear.scatter [tilespmem:s15], [sflag:$0x3], $0x1400, $0x38;
	[tilespmem:$0x1CC80] =	vst v63  }
0x25: {  	_ =	swait.ge [sflag:s16], $0x1400  }
0x26: {  	s5 =	smov.u32 s13;
	s0 =	sadd.s32 $0xFFFFFFFF, s31;
	[sflag:s16] =	ssyncset.done $0x0  }
.LBB2_4:
0x27: {  	p0 =	sne.s32 s0, $0x1;
	[sflag:s16] =	ssyncadd.s32 $0xFFFFEC00;
	s5 =	sadd.s32 $0x14000, s5  }
.Ltmp2:
0x28: {  	s0 =	sadd.s32 $0xFFFFFFFF, s0;
	(pc) =	sbr.rel @p0 .LBB2_4-.Ltmp2, $4  }
0x29: {  	_ = 	snop  }
0x2a: {  	[spmem:s5] =	stream.linear.scatter [tilespmem:s15], [sflag:$0x3], $0x1400, $0x38;
	[tilespmem:$0x1CC80] =	vst v63  }
0x2b: {  	_ =	swait.ge [sflag:s16], $0x1400  }
0x2c: {  	[sflag:s16] =	ssyncset.done $0x0  }
.LBB2_5:
.Ltmp3:
0x2d: {  	(pc) =	sbr.rel .LBB2_6-.Ltmp3, $4  }
0x2e: {  	_ = 	snop  }
0x2f: {  	[sflag:s16] =	ssyncadd.s32 $0xFFFFEC00  }
0x30: {  	[bflag:$0x0] =	sbarrier.arrive $0xFFFF  }
0x31: {  	s31 =	simm.s32 $0x0  }
.LBB2_27:
0x32: {  	s31 =	sadd.s32 $0x1, s31  }
0x33: {  	p0 =	sne.s32 s31, $0x5  }
.Ltmp4:
0x34: {  	_ = 	snop;
	(pc) =	sbr.rel @!p0 .LBB2_28-.Ltmp4, $1  }
0x35: {  	_ =	sdelay $0x3  }
.LBB2_6:
0x36: {  	s0 =	sshll.u32 s31, $0xC  }
0x37: {  	s0 =	sadd.s32 s10, s0  }
0x38: {  	s0 =	sshrl.u32 s0, $0x3  }
0x39: {  	s5 =	sadd.s32 s4, s0  }
0x3a: {  	[tilespmem:s30], [sflag:$0x3] =	stream.linear.gather [hbm4b:s5+s30], $0x1000, $0x38;
	[tilespmem:$0x1CC80] =	vst v63  }
0x3b: {  	_ =	swait.ge [sflag:s16], $0x1000  }
0x3c: {  	[sflag:s16] =	ssyncset.done $0x0  }
0x3d: {  	s28 =	sadd.s32 s6, s0;
	[sflag:s16] =	ssyncadd.s32 $0xFFFFF000  }
0x3e: {  	[tilespmem:s17], [sflag:$0x3] =	stream.linear.gather [hbm4b:s28+s30], $0x1000, $0x38;
	[tilespmem:$0x1CC80] =	vst v63  }
0x3f: {  	_ =	swait.ge [sflag:s16], $0x1000  }
0x40: {  	[sflag:s16] =	ssyncset.done $0x0  }
0x41: {  	s29 =	sadd.s32 s7, s0;
	[sflag:s16] =	ssyncadd.s32 $0xFFFFF000  }
0x42: {  	[tilespmem:s18], [sflag:$0x3] =	stream.linear.gather [hbm4b:s29+s30], $0x1000, $0x38;
	[tilespmem:$0x1CC80] =	vst v63  }
0x43: {  	_ =	swait.ge [sflag:s16], $0x1000  }
0x44: {  	[sflag:s16] =	ssyncset.done $0x0  }
0x45: {  	s0 =	sadd.s32 s8, s0;
	[sflag:s16] =	ssyncadd.s32 $0xFFFFF000  }
0x46: {  	[tilespmem:s19], [sflag:$0x3] =	stream.linear.gather [hbm4b:s0+s30], $0x1000, $0x38;
	[tilespmem:$0x1CC80] =	vst v63  }
0x47: {  	_ =	swait.ge [sflag:s16], $0x1000  }
0x48: {  	s9 =	simm.s32 $0x6200;
	s11 =	simm.s32 $0x0;
	[sflag:s16] =	ssyncset.done $0x0  }
0x49: {  	s5 =	simm.s32 $0x5100;
	s0 =	simm.s32 $0x4000;
	[sflag:s16] =	ssyncadd.s32 $0xFFFFF000  }
.LBB2_7:
0x4a: {  	p0 =	sne.s32 s11, $0x10F0  }
.Ltmp5:
0x4b: {  	_ = 	snop;
	(pc) =	sbr.rel @p0 .LBB2_7-.Ltmp5, $4  }
0x4c: {  	v5 =	vor.u32 s11, v3  }
0x4d: {  	[tilespmem:s0+$0x0] =	vst v5  }
0x4e: {  	s11 =	sadd.s32 $0x10, s11;
	[tilespmem:s5+$0x0] =	vst v0  }
0x4f: {  	s0 =	sadd.s32 $0x10, s0;
	s5 =	sadd.s32 $0x10, s5;
	[tilespmem:s9+$0x0] =	vst v2;
	s9 =	sadd.s32 $0x10, s9  }
0x50: {  	s0 =	simm.s32 $0x0  }
0x51: {  	v5 =	vld [tilespmem:s0+$0x2000];
	_ =	sdelay $0x4  }
0x52: {  	v5 =	vsub.s32 v5, v1  }
0x53: {  	vm0 =	vlt.u32 v5, $0x1388  }
0x54: {  	v6 =	vsel vm0, $0x1, v4  }
0x55: {  	(xrf0) =	vadd.scan.msk.s32 $0xffff, v6;
	_ =	sdelay $0x1  }
0x56: {  	v6 =	vld [tilespmem:s0+$0x1000];
	_ =	sdelay $0x1  }
0x57: {  	v7 =	vld [tilespmem:s0+$0x0];
	_ =	sdelay $0x1  }
0x58: {  	v8, _, _ =	vpop (xrf0)  }
0x59: {  	v6 =	vmul.u32 $0x2710, v6;
	(v2sf) =	vpush v8, $0xF;
	v8 =	vld [tilespmem:s0+$0x3000];
	_ =	sdelay $0x1  }
0x5a: {  	s0 =	simm.s32 $0x0;
	v6 =	vadd.s32 v7, v6  }
0x5b: {  	[tilespmem:s0+$0x4000] =	vst.msk vm0, v6  }
0x5c: {  	[tilespmem:s0+$0x5100] =	vst.msk vm0, v5  }
0x5d: {  	s9 =	simm.s32 $0x10;
	[tilespmem:s0+$0x6200] =	vst.msk vm0, v8  }
0x5e: {  	v5 =	vld [tilespmem:s9+$0x2000];
	_ =	sdelay $0x4  }
0x5f: {  	v5 =	vsub.s32 v5, v1  }
0x60: {  	v8 =	vld [tilespmem:s9+$0x1000];
	vm0 =	vlt.u32 v5, $0x1388  }
0x61: {  	v6 =	vsel vm0, $0x1, v4  }
0x62: {  	v7 =	vld [tilespmem:s9+$0x0];
	(xrf0) =	vadd.scan.msk.s32 $0xffff, v6;
	_ =	sdelay $0x2  }
0x63: {  	s5 =	simm.s32 $0x80;
	v8 =	vmul.u32 $0x2710, v8;
	v6 =	vld [tilespmem:s9+$0x3000];
	s9 =	spop (v2sf)  }
.LBB2_9:
0x64: {  	p0 =	sne.s32 s5, $0x3FC0  }
0x65: {  	v8 =	vadd.s32 v7, v8;
	s0 =	sadd.s32 s0, s9;
	s9 =	smov.u32 s5;
	s5 =	sadd.s32 $0x40, s5  }
0x66: {  	[tilespmem:s0+$0x4000] =	vst.msk vm0, v8;
	v7, _, _ =	vpop (xrf0)  }
0x67: {  	[tilespmem:s0+$0x5100] =	vst.msk vm0, v5;
	(v2sf) =	vpush v7, $0xF  }
0x68: {  	[tilespmem:s0+$0x6200] =	vst.msk vm0, v6  }
0x69: {  	s9 =	sshra.s32 s9, $0x2  }
0x6a: {  	v5 =	vld [tilespmem:s9+$0x2000];
	_ =	sdelay $0x4  }
0x6b: {  	v5 =	vsub.s32 v5, v1  }
0x6c: {  	v8 =	vld [tilespmem:s9+$0x1000];
	vm0 =	vlt.u32 v5, $0x1388  }
0x6d: {  	v6 =	vsel vm0, $0x1, v4  }
.Ltmp6:
0x6e: {  	v7 =	vld [tilespmem:s9+$0x0];
	(xrf0) =	vadd.scan.msk.s32 $0xffff, v6;
	(pc) =	sbr.rel @p0 .LBB2_9-.Ltmp6, $3  }
0x6f: {  	_ =	sdelay $0x1  }
0x70: {  	v6 =	vld [tilespmem:s9+$0x3000];
	v8 =	vmul.u32 $0x2710, v8  }
0x71: {  	s9 =	spop (v2sf)  }
0x72: {  	v7 =	vadd.s32 v7, v8;
	s0 =	sadd.s32 s0, s9  }
0x73: {  	[tilespmem:s0+$0x4000] =	vst.msk vm0, v7  }
0x74: {  	[tilespmem:s0+$0x5100] =	vst.msk vm0, v5  }
0x75: {  	s5 =	simm.s32 $0x70;
	[tilespmem:s0+$0x6200] =	vst.msk vm0, v6  }
0x76: {  	v6 =	vld [tilespmem:s5+$0x3F90];
	_ =	sdelay $0x4  }
0x77: {  	[tilespmem:s5+$0x7290] =	vst v6;
	v6, _, _ =	vpop (xrf0)  }
0x78: {  	(v2sf) =	vpush v6, $0xF;
	_ =	sdelay $0x1  }
0x79: {  	v5 =	vld [tilespmem:s5+$0x5100]  }
0x7a: {  	v7 =	vld [tilespmem:s5+$0x5090]  }
0x7b: {  	v8 =	vld [tilespmem:s5+$0x3FA0]  }
0x7c: {  	v9 =	vld [tilespmem:s5+$0x50A0]  }
0x7d: {  	v10 =	vld [tilespmem:s5+$0x3FB0]  }
0x7e: {  	[tilespmem:s5+$0x8700] =	vst v5;
	v5 =	vld [tilespmem:s5+$0x50B0]  }
0x7f: {  	[tilespmem:s5+$0x8690] =	vst v7;
	v6 =	vld [tilespmem:s5+$0x3FC0]  }
0x80: {  	[tilespmem:s5+$0x72A0] =	vst v8;
	v7 =	vld [tilespmem:s5+$0x50C0]  }
0x81: {  	[tilespmem:s5+$0x86A0] =	vst v9;
	v8 =	vld [tilespmem:s5+$0x3FD0]  }
0x82: {  	[tilespmem:s5+$0x72B0] =	vst v10;
	v9 =	vld [tilespmem:s5+$0x50D0]  }
0x83: {  	[tilespmem:s5+$0x86B0] =	vst v5;
	v5 =	vld [tilespmem:s5+$0x3FE0]  }
0x84: {  	[tilespmem:s5+$0x72C0] =	vst v6;
	v6 =	vld [tilespmem:s5+$0x50E0]  }
0x85: {  	[tilespmem:s5+$0x86C0] =	vst v7;
	v7 =	vld [tilespmem:s5+$0x3FF0]  }
0x86: {  	[tilespmem:s5+$0x72D0] =	vst v8;
	v8 =	vld [tilespmem:s5+$0x50F0];
	s29 =	spop (v2sf)  }
0x87: {  	s9 =	simm.s32 $0xF0;
	s11 =	simm.s32 $0x5C0;
	[tilespmem:s5+$0x86D0] =	vst v9;
	v9 =	vld [tilespmem:s5+$0x4000];
	s0 =	sadd.s32 s0, s29  }
.LBB2_11:
0x88: {  	p0 =	sne.s32 s11, $0x23C0;
	v10 =	vld [tilespmem:s9+$0x5100];
	[tilespmem:s5+$0x72E0] =	vst v5  }
0x89: {  	v5 =	vld [tilespmem:s9+$0x3F90];
	[tilespmem:s5+$0x86E0] =	vst v6  }
0x8a: {  	v6 =	vld [tilespmem:s9+$0x5090];
	[tilespmem:s5+$0x72F0] =	vst v7  }
0x8b: {  	v7 =	vld [tilespmem:s9+$0x3FA0];
	[tilespmem:s5+$0x86F0] =	vst v8  }
0x8c: {  	v8 =	vld [tilespmem:s9+$0x50A0];
	[tilespmem:s5+$0x7300] =	vst v9;
	s5 =	smov.u32 s9  }
0x8d: {  	v9 =	vld [tilespmem:s5+$0x3FB0];
	[tilespmem:s5+$0x8700] =	vst v10  }
0x8e: {  	[tilespmem:s5+$0x7290] =	vst v5;
	v5 =	vld [tilespmem:s5+$0x50B0]  }
0x8f: {  	[tilespmem:s5+$0x8690] =	vst v6;
	v6 =	vld [tilespmem:s5+$0x3FC0]  }
0x90: {  	[tilespmem:s5+$0x72A0] =	vst v7;
	v7 =	vld [tilespmem:s5+$0x50C0]  }
0x91: {  	[tilespmem:s5+$0x86A0] =	vst v8;
	v8 =	vld [tilespmem:s5+$0x3FD0]  }
0x92: {  	[tilespmem:s5+$0x72B0] =	vst v9;
	v9 =	vld [tilespmem:s5+$0x50D0]  }
.Ltmp7:
0x93: {  	[tilespmem:s5+$0x86B0] =	vst v5;
	v5 =	vld [tilespmem:s5+$0x3FE0];
	(pc) =	sbr.rel @p0 .LBB2_11-.Ltmp7, $4  }
0x94: {  	[tilespmem:s5+$0x72C0] =	vst v6;
	v6 =	vld [tilespmem:s5+$0x50E0]  }
0x95: {  	[tilespmem:s5+$0x86C0] =	vst v7;
	v7 =	vld [tilespmem:s5+$0x3FF0]  }
0x96: {  	[tilespmem:s5+$0x72D0] =	vst v8;
	v8 =	vld [tilespmem:s5+$0x50F0]  }
0x97: {  	s9 =	sshra.s32 s11, $0x2;
	s11 =	sadd.s32 $0x200, s11;
	[tilespmem:s5+$0x86D0] =	vst v9;
	v9 =	vld [tilespmem:s5+$0x4000]  }
0x98: {  	v10 =	vld [tilespmem:s9+$0x5100];
	[tilespmem:s5+$0x72E0] =	vst v5  }
0x99: {  	v5 =	vld [tilespmem:s9+$0x3F90];
	[tilespmem:s5+$0x86E0] =	vst v6  }
0x9a: {  	v6 =	vld [tilespmem:s9+$0x5090];
	[tilespmem:s5+$0x72F0] =	vst v7  }
0x9b: {  	v7 =	vld [tilespmem:s9+$0x3FA0];
	[tilespmem:s5+$0x86F0] =	vst v8  }
0x9c: {  	v8 =	vld [tilespmem:s9+$0x50A0];
	[tilespmem:s5+$0x7300] =	vst v9  }
0x9d: {  	v9 =	vld [tilespmem:s9+$0x3FB0];
	[tilespmem:s9+$0x8700] =	vst v10  }
0x9e: {  	v60 =	vld [tilespmem:s9+$0x3FD0];
	[tilespmem:s9+$0x7290] =	vst v5  }
0x9f: {  	v61 =	vld [tilespmem:s9+$0x50D0];
	[tilespmem:s9+$0x8690] =	vst v6  }
0xa0: {  	v5 =	vld [tilespmem:s9+$0x50B0];
	[tilespmem:s9+$0x72A0] =	vst v7  }
0xa1: {  	v6 =	vld [tilespmem:s9+$0x3FC0];
	[tilespmem:s9+$0x86A0] =	vst v8  }
0xa2: {  	v7 =	vld [tilespmem:s9+$0x50C0];
	[tilespmem:s9+$0x72B0] =	vst v9  }
0xa3: {  	v62 =	vld [tilespmem:s9+$0x50F0];
	[tilespmem:s9+$0x72D0] =	vst v60  }
0xa4: {  	v63 =	vld [tilespmem:s9+$0x4000];
	[tilespmem:s9+$0x86D0] =	vst v61  }
0xa5: {  	[tilespmem:s9+$0x86B0] =	vst v5;
	v5 =	vld [tilespmem:s9+$0x3FE0]  }
0xa6: {  	[tilespmem:s9+$0x72C0] =	vst v6;
	v6 =	vld [tilespmem:s9+$0x50E0]  }
0xa7: {  	[tilespmem:s9+$0x86C0] =	vst v7;
	v7 =	vld [tilespmem:s9+$0x3FF0]  }
0xa8: {  	[tilespmem:s9+$0x86F0] =	vst v62  }
0xa9: {  	[tilespmem:s9+$0x7300] =	vst v63  }
0xaa: {  	[tilespmem:s9+$0x72E0] =	vst v5  }
0xab: {  	[tilespmem:s9+$0x86E0] =	vst v6  }
0xac: {  	s12 =	simm.s32 $0x0;
	s5 =	simm.s32 $0x80;
	[tilespmem:s9+$0x72F0] =	vst v7;
	s9 =	simm.s32 $0x0  }
0xad: {  	[tilespmem:s21], [sflag:$0x1] =	stream.indirect.gather [hbm4b:s3+s5], $0x80, s20, s5, $0xb8;
	[tilespmem:$0x1CC80] =	vst v63  }
.LBB2_13:
0xae: {  	s11 =	sshll.u32 s9, $0x8  }
0xaf: {  	s13 =	sadd.s32 $0x7380, s11  }
0xb0: {  	[tilespmem:s23], [sflag:$0x2] =	stream.indirect.gather [hbm4b:s3+s22], $0x80, s13, s22, $0xb8;
	[tilespmem:$0x1CC80] =	vst v63  }
0xb1: {  	s28 =	sadd.s32 $0x0, s12;
	_ =	swait.ge [sflag:s24], $0x4000  }
0xb2: {  	v5 =	vmov s28;
	[sflag:s24] =	ssyncset.done $0x0  }
0xb3: {  	s14 =	simm.s32 $0x9B40;
	[sflag:s24] =	ssyncadd.s32 $0xFFFFC000  }
0xb4: {  	v9 =	vld [tilespmem:s14+$0x30]  }
0xb5: {  	v12 =	vld [tilespmem:s14+$0x10]  }
0xb6: {  	v10 =	vld [tilespmem:s14+$0xFFFFFFC0]  }
0xb7: {  	v6 =	vld.idx.msk [tilespmem:v5+s25+$0x0], $0xffff  }
0xb8: {  	v14 =	vld [tilespmem:s14+$0xFFFFFFE0]  }
0xb9: {  	v5 =	vld [tilespmem:s14+$0xFFFFFFF0]  }
0xba: {  	v7 =	vld [tilespmem:s14+$0x20]  }
0xbb: {  	v8 =	vld [tilespmem:s14+$0xFFFFFFD0]  }
0xbc: {  	v13 =	vmul.f32 v9, v6;
	v9 =	vld [tilespmem:s14+$0x0]  }
0xbd: {  	v11 =	vmul.f32 v10, v6  }
0xbe: {  	s29 =	simm.s32 $0x9B40;
	s11 =	sor.u32 $0x80, s11;
	s13 =	simm.s32 $0x1;
	v10 =	vmul.f32 v14, v6;
	v12 =	vmul.f32 v12, v6  }
.LBB2_14:
0xbf: {  	p0 =	sne.s32 s13, $0x7F  }
0xc0: {  	v8 =	vmul.f32 v8, v6;
	v7 =	vmul.f32 v7, v6;
	[tilespmem:s14+$0x30] =	vst v13;
	s29 =	sadd.s32 $0x80, s29;
	s28 =	smov.u32 s13;
	s13 =	sadd.s32 $0x1, s13  }
0xc1: {  	[tilespmem:s14+$0xFFFFFFC0] =	vst v11;
	v11 =	vmul.f32 v5, v6;
	v6 =	vmul.f32 v9, v6  }
0xc2: {  	s28 =	sadd.s32 s28, s12;
	[tilespmem:s14+$0x10] =	vst v12  }
0xc3: {  	v9 =	vmov s28;
	[tilespmem:s14+$0xFFFFFFE0] =	vst v10  }
0xc4: {  	v5 =	vld [tilespmem:s29+$0xFFFFFFF0];
	[tilespmem:s14+$0xFFFFFFF0] =	vst v11  }
0xc5: {  	v10 =	vld [tilespmem:s29+$0x30];
	[tilespmem:s14+$0x0] =	vst v6  }
0xc6: {  	v12 =	vld [tilespmem:s29+$0x10];
	[tilespmem:s14+$0x20] =	vst v7  }
0xc7: {  	v11 =	vld [tilespmem:s29+$0xFFFFFFC0];
	[tilespmem:s14+$0xFFFFFFD0] =	vst v8;
	s14 =	smov.u32 s29  }
0xc8: {  	v6 =	vld.idx.msk [tilespmem:v9+s25+$0x0], $0xffff  }
0xc9: {  	v14 =	vld [tilespmem:s29+$0xFFFFFFE0]  }
0xca: {  	v7 =	vld [tilespmem:s29+$0x20]  }
.Ltmp8:
0xcb: {  	v8 =	vld [tilespmem:s29+$0xFFFFFFD0];
	(pc) =	sbr.rel @p0 .LBB2_14-.Ltmp8, $3  }
0xcc: {  	v9 =	vld [tilespmem:s29+$0x0];
	_ =	sdelay $0x1  }
0xcd: {  	v11 =	vmul.f32 v11, v6;
	v13 =	vmul.f32 v10, v6  }
0xce: {  	v12 =	vmul.f32 v12, v6;
	v10 =	vmul.f32 v14, v6  }
0xcf: {  	[tilespmem:s14+$0x30] =	vst v13  }
0xd0: {  	[tilespmem:s14+$0xFFFFFFC0] =	vst v11  }
0xd1: {  	v5 =	vmul.f32 v5, v6;
	[tilespmem:s14+$0x10] =	vst v12  }
0xd2: {  	v7 =	vmul.f32 v7, v6;
	[tilespmem:s14+$0xFFFFFFE0] =	vst v10  }
0xd3: {  	v9 =	vmul.f32 v9, v6;
	[tilespmem:s14+$0xFFFFFFF0] =	vst v5  }
0xd4: {  	s13 =	sshll.u32 s9, $0xA;
	v5 =	vmul.f32 v8, v6;
	[tilespmem:s14+$0x20] =	vst v7  }
0xd5: {  	s28 =	sshrl.u32 s13, $0x2;
	[tilespmem:s14+$0x0] =	vst v9  }
0xd6: {  	p0 =	seq.s32 s9, $0x8;
	s28 =	sadd.s32 $0x8700, s28;
	[tilespmem:s14+$0xFFFFFFD0] =	vst v5  }
0xd7: {  	[spmem:s1] =	stream.indirect.scatter.add.f32 [tilespmem:s21], [sflag:$0x3], $0x80, s28, s22, $0xb8;
	[tilespmem:$0x1CC80] =	vst v63  }
0xd8: {  	s13 =	sshrl.u32 @!p0 s13, $0x2;
	_ =	swait.ge [sflag:s16], $0x4000  }
0xd9: {  	s13 =	sadd.s32 @!p0 $0x7400, s13;
	[sflag:s16] =	ssyncset.done $0x0  }
0xda: {  	s14 =	simm.s32 @!p0 $0x80;
	s28 =	simm.s32 @!p0 $0x9B00;
	[sflag:s16] =	ssyncadd.s32 $0xFFFFC000  }
0xdb: {  	[tilespmem:s28], [sflag:$0x1] =	stream.indirect.gather @!p0 [hbm4b:s3+s14], $0x80, s13, s14, $0xb8;
	[tilespmem:$0x1CC80] =	vst v63  }
0xdc: {  	s28 =	sadd.s32 $0x0, s5;
	_ =	swait.ge [sflag:s26], $0x4000  }
0xdd: {  	v5 =	vmov s28;
	[sflag:s26] =	ssyncset.done $0x0  }
0xde: {  	s14 =	simm.s32 $0xDB40;
	[sflag:s26] =	ssyncadd.s32 $0xFFFFC000  }
0xdf: {  	v9 =	vld [tilespmem:s14+$0x30]  }
0xe0: {  	v12 =	vld [tilespmem:s14+$0x10]  }
0xe1: {  	v10 =	vld [tilespmem:s14+$0xFFFFFFC0]  }
0xe2: {  	v6 =	vld.idx.msk [tilespmem:v5+s25+$0x0], $0xffff  }
0xe3: {  	v14 =	vld [tilespmem:s14+$0xFFFFFFE0]  }
0xe4: {  	v7 =	vld [tilespmem:s14+$0x20]  }
0xe5: {  	v8 =	vld [tilespmem:s14+$0xFFFFFFD0]  }
0xe6: {  	v5 =	vld [tilespmem:s14+$0xFFFFFFF0]  }
0xe7: {  	v13 =	vmul.f32 v9, v6;
	v9 =	vld [tilespmem:s14+$0x0]  }
0xe8: {  	v11 =	vmul.f32 v10, v6  }
0xe9: {  	s29 =	simm.s32 $0xDB40;
	s13 =	simm.s32 $0x1;
	v10 =	vmul.f32 v14, v6;
	v12 =	vmul.f32 v12, v6  }
.LBB2_16:
0xea: {  	p0 =	sne.s32 s13, $0x7F  }
0xeb: {  	v8 =	vmul.f32 v8, v6;
	v7 =	vmul.f32 v7, v6;
	[tilespmem:s14+$0x30] =	vst v13;
	s29 =	sadd.s32 $0x80, s29;
	s28 =	smov.u32 s13;
	s13 =	sadd.s32 $0x1, s13  }
0xec: {  	[tilespmem:s14+$0xFFFFFFC0] =	vst v11;
	v11 =	vmul.f32 v5, v6;
	v6 =	vmul.f32 v9, v6  }
0xed: {  	s28 =	sadd.s32 s28, s5;
	[tilespmem:s14+$0x10] =	vst v12  }
0xee: {  	v9 =	vmov s28;
	[tilespmem:s14+$0xFFFFFFE0] =	vst v10  }
0xef: {  	v5 =	vld [tilespmem:s29+$0xFFFFFFF0];
	[tilespmem:s14+$0xFFFFFFF0] =	vst v11  }
0xf0: {  	v10 =	vld [tilespmem:s29+$0x30];
	[tilespmem:s14+$0x0] =	vst v6  }
0xf1: {  	v12 =	vld [tilespmem:s29+$0x10];
	[tilespmem:s14+$0x20] =	vst v7  }
0xf2: {  	v11 =	vld [tilespmem:s29+$0xFFFFFFC0];
	[tilespmem:s14+$0xFFFFFFD0] =	vst v8;
	s14 =	smov.u32 s29  }
0xf3: {  	v6 =	vld.idx.msk [tilespmem:v9+s25+$0x0], $0xffff  }
0xf4: {  	v14 =	vld [tilespmem:s29+$0xFFFFFFE0]  }
0xf5: {  	v7 =	vld [tilespmem:s29+$0x20]  }
.Ltmp9:
0xf6: {  	v8 =	vld [tilespmem:s29+$0xFFFFFFD0];
	(pc) =	sbr.rel @p0 .LBB2_16-.Ltmp9, $3  }
0xf7: {  	v9 =	vld [tilespmem:s29+$0x0];
	_ =	sdelay $0x1  }
0xf8: {  	v11 =	vmul.f32 v11, v6;
	v13 =	vmul.f32 v10, v6  }
0xf9: {  	v12 =	vmul.f32 v12, v6;
	v10 =	vmul.f32 v14, v6  }
0xfa: {  	[tilespmem:s14+$0x30] =	vst v13  }
0xfb: {  	[tilespmem:s14+$0xFFFFFFC0] =	vst v11  }
0xfc: {  	v5 =	vmul.f32 v5, v6;
	[tilespmem:s14+$0x10] =	vst v12  }
0xfd: {  	v7 =	vmul.f32 v7, v6;
	[tilespmem:s14+$0xFFFFFFE0] =	vst v10  }
0xfe: {  	v9 =	vmul.f32 v9, v6;
	[tilespmem:s14+$0xFFFFFFF0] =	vst v5  }
0xff: {  	s9 =	sadd.s32 $0x1, s9;
	v5 =	vmul.f32 v8, v6;
	[tilespmem:s14+$0x20] =	vst v7  }
0x100: {  	p0 =	sne.s32 s9, $0x9;
	[tilespmem:s14+$0x0] =	vst v9  }
.Ltmp10:
0x101: {  	s11 =	sadd.s32 $0x8700, s11;
	[tilespmem:s14+$0xFFFFFFD0] =	vst v5;
	(pc) =	sbr.rel @p0 .LBB2_13-.Ltmp10, $4  }
0x102: {  	[spmem:s1] =	stream.indirect.scatter.add.f32 [tilespmem:s23], [sflag:$0x3], $0x80, s11, s22, $0xb8;
	[tilespmem:$0x1CC80] =	vst v63  }
0x103: {  	_ =	swait.ge [sflag:s16], $0x4000  }
0x104: {  	[sflag:s16] =	ssyncset.done $0x0  }
0x105: {  	s12 =	sadd.s32 $0x100, s12;
	s5 =	sadd.s32 $0x100, s5;
	[sflag:s16] =	ssyncadd.s32 $0xFFFFC000  }
0x106: {  	p0 =	slt.s32 s0, $0x901  }
.Ltmp11:
0x107: {  	_ = 	snop;
	(pc) =	sbr.rel @p0 .LBB2_27-.Ltmp11, $1  }
0x108: {  	_ =	sdelay $0x3  }
0x109: {  	s0 =	simm.s32 $0x0  }
0x10a: {  	v5 =	vld [tilespmem:s0+$0x5A70]  }
0x10b: {  	v6 =	vld [tilespmem:s0+$0x4900]  }
0x10c: {  	v7 =	vld [tilespmem:s0+$0x5A00]  }
0x10d: {  	v8 =	vld [tilespmem:s0+$0x4910]  }
0x10e: {  	v9 =	vld [tilespmem:s0+$0x5A10]  }
0x10f: {  	v10 =	vld [tilespmem:s0+$0x4920];
	[tilespmem:s0+$0x9070] =	vst v5  }
0x110: {  	[tilespmem:s0+$0x7C00] =	vst v6;
	v5 =	vld [tilespmem:s0+$0x5A20]  }
0x111: {  	[tilespmem:s0+$0x9000] =	vst v7;
	v6 =	vld [tilespmem:s0+$0x4930]  }
0x112: {  	[tilespmem:s0+$0x7C10] =	vst v8;
	v7 =	vld [tilespmem:s0+$0x5A30]  }
0x113: {  	[tilespmem:s0+$0x9010] =	vst v9;
	v8 =	vld [tilespmem:s0+$0x4940]  }
0x114: {  	[tilespmem:s0+$0x7C20] =	vst v10;
	v9 =	vld [tilespmem:s0+$0x5A40]  }
0x115: {  	[tilespmem:s0+$0x9020] =	vst v5;
	v5 =	vld [tilespmem:s0+$0x4950]  }
0x116: {  	[tilespmem:s0+$0x7C30] =	vst v6;
	v6 =	vld [tilespmem:s0+$0x5A50]  }
0x117: {  	[tilespmem:s0+$0x9030] =	vst v7;
	v7 =	vld [tilespmem:s0+$0x4960]  }
0x118: {  	[tilespmem:s0+$0x7C40] =	vst v8;
	v8 =	vld [tilespmem:s0+$0x5A60]  }
0x119: {  	s5 =	simm.s32 $0x80;
	s9 =	simm.s32 $0x400;
	[tilespmem:s0+$0x9040] =	vst v9;
	v9 =	vld [tilespmem:s0+$0x4970]  }
.LBB2_20:
0x11a: {  	p0 =	sne.s32 s9, $0x1E00;
	v10 =	vld [tilespmem:s5+$0x5A70];
	[tilespmem:s0+$0x7C50] =	vst v5  }
0x11b: {  	v5 =	vld [tilespmem:s5+$0x4900];
	[tilespmem:s0+$0x9050] =	vst v6  }
0x11c: {  	v6 =	vld [tilespmem:s5+$0x5A00];
	[tilespmem:s0+$0x7C60] =	vst v7  }
0x11d: {  	v7 =	vld [tilespmem:s5+$0x4910];
	[tilespmem:s0+$0x9060] =	vst v8  }
0x11e: {  	v8 =	vld [tilespmem:s5+$0x5A10];
	[tilespmem:s0+$0x7C70] =	vst v9;
	s0 =	smov.u32 s5  }
0x11f: {  	v9 =	vld [tilespmem:s0+$0x4920];
	[tilespmem:s0+$0x9070] =	vst v10  }
0x120: {  	[tilespmem:s0+$0x7C00] =	vst v5;
	v5 =	vld [tilespmem:s0+$0x5A20]  }
0x121: {  	[tilespmem:s0+$0x9000] =	vst v6;
	v6 =	vld [tilespmem:s0+$0x4930]  }
0x122: {  	[tilespmem:s0+$0x7C10] =	vst v7;
	v7 =	vld [tilespmem:s0+$0x5A30]  }
0x123: {  	[tilespmem:s0+$0x9010] =	vst v8;
	v8 =	vld [tilespmem:s0+$0x4940]  }
0x124: {  	[tilespmem:s0+$0x7C20] =	vst v9;
	v9 =	vld [tilespmem:s0+$0x5A40]  }
.Ltmp12:
0x125: {  	[tilespmem:s0+$0x9020] =	vst v5;
	v5 =	vld [tilespmem:s0+$0x4950];
	(pc) =	sbr.rel @p0 .LBB2_20-.Ltmp12, $4  }
0x126: {  	[tilespmem:s0+$0x7C30] =	vst v6;
	v6 =	vld [tilespmem:s0+$0x5A50]  }
0x127: {  	[tilespmem:s0+$0x9030] =	vst v7;
	v7 =	vld [tilespmem:s0+$0x4960]  }
0x128: {  	[tilespmem:s0+$0x7C40] =	vst v8;
	v8 =	vld [tilespmem:s0+$0x5A60]  }
0x129: {  	s5 =	sshra.s32 s9, $0x2;
	s9 =	sadd.s32 $0x200, s9;
	[tilespmem:s0+$0x9040] =	vst v9;
	v9 =	vld [tilespmem:s0+$0x4970]  }
0x12a: {  	v10 =	vld [tilespmem:s5+$0x5A70];
	[tilespmem:s0+$0x7C50] =	vst v5  }
0x12b: {  	v5 =	vld [tilespmem:s5+$0x4900];
	[tilespmem:s0+$0x9050] =	vst v6  }
0x12c: {  	v6 =	vld [tilespmem:s5+$0x5A00];
	[tilespmem:s0+$0x7C60] =	vst v7  }
0x12d: {  	v7 =	vld [tilespmem:s5+$0x4910];
	[tilespmem:s0+$0x9060] =	vst v8  }
0x12e: {  	v8 =	vld [tilespmem:s5+$0x5A10];
	[tilespmem:s0+$0x7C70] =	vst v9  }
0x12f: {  	v9 =	vld [tilespmem:s5+$0x4920];
	[tilespmem:s5+$0x9070] =	vst v10  }
0x130: {  	v60 =	vld [tilespmem:s5+$0x4940];
	[tilespmem:s5+$0x7C00] =	vst v5  }
0x131: {  	v61 =	vld [tilespmem:s5+$0x5A40];
	[tilespmem:s5+$0x9000] =	vst v6  }
0x132: {  	v5 =	vld [tilespmem:s5+$0x5A20];
	[tilespmem:s5+$0x7C10] =	vst v7  }
0x133: {  	v6 =	vld [tilespmem:s5+$0x4930];
	[tilespmem:s5+$0x9010] =	vst v8  }
0x134: {  	v7 =	vld [tilespmem:s5+$0x5A30];
	[tilespmem:s5+$0x7C20] =	vst v9  }
0x135: {  	v62 =	vld [tilespmem:s5+$0x5A60];
	[tilespmem:s5+$0x7C40] =	vst v60  }
0x136: {  	v63 =	vld [tilespmem:s5+$0x4970];
	[tilespmem:s5+$0x9040] =	vst v61  }
0x137: {  	[tilespmem:s5+$0x9020] =	vst v5;
	v5 =	vld [tilespmem:s5+$0x4950]  }
0x138: {  	[tilespmem:s5+$0x7C30] =	vst v6;
	v6 =	vld [tilespmem:s5+$0x5A50]  }
0x139: {  	[tilespmem:s5+$0x9030] =	vst v7;
	v7 =	vld [tilespmem:s5+$0x4960]  }
0x13a: {  	[tilespmem:s5+$0x9060] =	vst v62  }
0x13b: {  	[tilespmem:s5+$0x7C70] =	vst v63  }
0x13c: {  	[tilespmem:s5+$0x7C50] =	vst v5  }
0x13d: {  	s29 =	simm.s32 $0x7C00;
	[tilespmem:s5+$0x9050] =	vst v6  }
0x13e: {  	s12 =	simm.s32 $0x980;
	s0 =	simm.s32 $0x0;
	[tilespmem:s5+$0x7C60] =	vst v7;
	s5 =	simm.s32 $0x900  }
0x13f: {  	[tilespmem:s21], [sflag:$0x1] =	stream.indirect.gather [hbm4b:s3+s22], $0x80, s29, s22, $0xb8;
	[tilespmem:$0x1CC80] =	vst v63  }
.LBB2_22:
0x140: {  	s9 =	sshll.u32 s0, $0x8  }
0x141: {  	s11 =	sadd.s32 $0x7C80, s9  }
0x142: {  	[tilespmem:s23], [sflag:$0x2] =	stream.indirect.gather [hbm4b:s3+s22], $0x80, s11, s22, $0xb8;
	[tilespmem:$0x1CC80] =	vst v63  }
0x143: {  	s28 =	sadd.s32 $0x0, s5;
	_ =	swait.ge [sflag:s24], $0x4000  }
0x144: {  	v5 =	vmov s28;
	[sflag:s24] =	ssyncset.done $0x0  }
0x145: {  	s11 =	simm.s32 $0x9B40;
	[sflag:s24] =	ssyncadd.s32 $0xFFFFC000  }
0x146: {  	v9 =	vld [tilespmem:s11+$0x30]  }
0x147: {  	v12 =	vld [tilespmem:s11+$0x10]  }
0x148: {  	v10 =	vld [tilespmem:s11+$0xFFFFFFC0]  }
0x149: {  	v6 =	vld.idx.msk [tilespmem:v5+s25+$0x0], $0xffff  }
0x14a: {  	v14 =	vld [tilespmem:s11+$0xFFFFFFE0]  }
0x14b: {  	v5 =	vld [tilespmem:s11+$0xFFFFFFF0]  }
0x14c: {  	v7 =	vld [tilespmem:s11+$0x20]  }
0x14d: {  	v8 =	vld [tilespmem:s11+$0xFFFFFFD0]  }
0x14e: {  	v13 =	vmul.f32 v9, v6;
	v9 =	vld [tilespmem:s11+$0x0]  }
0x14f: {  	s13 =	sshll.u32 s0, $0x1;
	s29 =	simm.s32 $0x9B40;
	v11 =	vmul.f32 v10, v6  }
0x150: {  	s14 =	sadd.s32 $0x12, s13;
	s9 =	sadd.s32 $0x980, s9;
	s13 =	simm.s32 $0x1;
	v10 =	vmul.f32 v14, v6;
	v12 =	vmul.f32 v12, v6  }
.LBB2_23:
0x151: {  	p0 =	sne.s32 s13, $0x7F  }
0x152: {  	v8 =	vmul.f32 v8, v6;
	v7 =	vmul.f32 v7, v6;
	[tilespmem:s11+$0x30] =	vst v13;
	s29 =	sadd.s32 $0x80, s29;
	s28 =	smov.u32 s13;
	s13 =	sadd.s32 $0x1, s13  }
0x153: {  	[tilespmem:s11+$0xFFFFFFC0] =	vst v11;
	v11 =	vmul.f32 v5, v6;
	v6 =	vmul.f32 v9, v6  }
0x154: {  	s28 =	sadd.s32 s28, s5;
	[tilespmem:s11+$0x10] =	vst v12  }
0x155: {  	v9 =	vmov s28;
	[tilespmem:s11+$0xFFFFFFE0] =	vst v10  }
0x156: {  	v5 =	vld [tilespmem:s29+$0xFFFFFFF0];
	[tilespmem:s11+$0xFFFFFFF0] =	vst v11  }
0x157: {  	v10 =	vld [tilespmem:s29+$0x30];
	[tilespmem:s11+$0x0] =	vst v6  }
0x158: {  	v12 =	vld [tilespmem:s29+$0x10];
	[tilespmem:s11+$0x20] =	vst v7  }
0x159: {  	v11 =	vld [tilespmem:s29+$0xFFFFFFC0];
	[tilespmem:s11+$0xFFFFFFD0] =	vst v8;
	s11 =	smov.u32 s29  }
0x15a: {  	v6 =	vld.idx.msk [tilespmem:v9+s25+$0x0], $0xffff  }
0x15b: {  	v14 =	vld [tilespmem:s29+$0xFFFFFFE0]  }
0x15c: {  	v7 =	vld [tilespmem:s29+$0x20]  }
.Ltmp13:
0x15d: {  	v8 =	vld [tilespmem:s29+$0xFFFFFFD0];
	(pc) =	sbr.rel @p0 .LBB2_23-.Ltmp13, $3  }
0x15e: {  	v9 =	vld [tilespmem:s29+$0x0];
	_ =	sdelay $0x1  }
0x15f: {  	v11 =	vmul.f32 v11, v6;
	v13 =	vmul.f32 v10, v6  }
0x160: {  	v12 =	vmul.f32 v12, v6;
	v10 =	vmul.f32 v14, v6  }
0x161: {  	[tilespmem:s11+$0x30] =	vst v13  }
0x162: {  	[tilespmem:s11+$0xFFFFFFC0] =	vst v11  }
0x163: {  	v5 =	vmul.f32 v5, v6;
	[tilespmem:s11+$0x10] =	vst v12  }
0x164: {  	v7 =	vmul.f32 v7, v6;
	[tilespmem:s11+$0xFFFFFFE0] =	vst v10  }
0x165: {  	v9 =	vmul.f32 v9, v6;
	[tilespmem:s11+$0xFFFFFFF0] =	vst v5  }
0x166: {  	s13 =	sshll.u32 s14, $0x7;
	v5 =	vmul.f32 v8, v6;
	[tilespmem:s11+$0x20] =	vst v7  }
0x167: {  	s13 =	sand.u32 $0x3FFFFF80, s13;
	[tilespmem:s11+$0x0] =	vst v9  }
0x168: {  	p0 =	seq.s32 s0, $0x7;
	s28 =	sadd.s32 $0x8700, s13;
	[tilespmem:s11+$0xFFFFFFD0] =	vst v5  }
0x169: {  	[spmem:s1] =	stream.indirect.scatter.add.f32 [tilespmem:s21], [sflag:$0x3], $0x80, s28, s22, $0xb8;
	[tilespmem:$0x1CC80] =	vst v63  }
0x16a: {  	s11 =	sshll.u32 @!p0 s0, $0x8;
	_ =	swait.ge [sflag:s16], $0x4000  }
0x16b: {  	s14 =	simm.s32 @!p0 $0x9B00;
	s11 =	sand.u32 @!p0 $0x3FFFFF00, s11;
	[sflag:s16] =	ssyncset.done $0x0  }
0x16c: {  	s13 =	simm.s32 @!p0 $0x80;
	s11 =	sadd.s32 @!p0 $0x7D00, s11;
	[sflag:s16] =	ssyncadd.s32 $0xFFFFC000  }
0x16d: {  	[tilespmem:s14], [sflag:$0x1] =	stream.indirect.gather @!p0 [hbm4b:s3+s13], $0x80, s11, s13, $0xb8;
	[tilespmem:$0x1CC80] =	vst v63  }
0x16e: {  	s29 =	sadd.s32 $0x0, s12;
	_ =	swait.ge [sflag:s26], $0x4000  }
0x16f: {  	v5 =	vmov s29;
	[sflag:s26] =	ssyncset.done $0x0  }
0x170: {  	s11 =	simm.s32 $0xDB40;
	[sflag:s26] =	ssyncadd.s32 $0xFFFFC000  }
0x171: {  	v9 =	vld [tilespmem:s11+$0x30]  }
0x172: {  	v12 =	vld [tilespmem:s11+$0x10]  }
0x173: {  	v10 =	vld [tilespmem:s11+$0xFFFFFFC0]  }
0x174: {  	v6 =	vld.idx.msk [tilespmem:v5+s25+$0x0], $0xffff  }
0x175: {  	v14 =	vld [tilespmem:s11+$0xFFFFFFE0]  }
0x176: {  	v5 =	vld [tilespmem:s11+$0xFFFFFFF0]  }
0x177: {  	v7 =	vld [tilespmem:s11+$0x20]  }
0x178: {  	v8 =	vld [tilespmem:s11+$0xFFFFFFD0]  }
0x179: {  	v13 =	vmul.f32 v9, v6;
	v9 =	vld [tilespmem:s11+$0x0]  }
0x17a: {  	v11 =	vmul.f32 v10, v6  }
0x17b: {  	s13 =	simm.s32 $0x1;
	s14 =	simm.s32 $0xDB40;
	v10 =	vmul.f32 v14, v6;
	v12 =	vmul.f32 v12, v6  }
.LBB2_25:
0x17c: {  	p0 =	sne.s32 s13, $0x7F  }
0x17d: {  	v8 =	vmul.f32 v8, v6;
	v7 =	vmul.f32 v7, v6;
	[tilespmem:s11+$0x30] =	vst v13;
	s14 =	sadd.s32 $0x80, s14;
	s28 =	smov.u32 s13;
	s13 =	sadd.s32 $0x1, s13  }
0x17e: {  	[tilespmem:s11+$0xFFFFFFC0] =	vst v11;
	v11 =	vmul.f32 v5, v6;
	v6 =	vmul.f32 v9, v6  }
0x17f: {  	s28 =	sadd.s32 s28, s12;
	[tilespmem:s11+$0x10] =	vst v12  }
0x180: {  	v9 =	vmov s28;
	[tilespmem:s11+$0xFFFFFFE0] =	vst v10  }
0x181: {  	v5 =	vld [tilespmem:s14+$0xFFFFFFF0];
	[tilespmem:s11+$0xFFFFFFF0] =	vst v11  }
0x182: {  	v10 =	vld [tilespmem:s14+$0x30];
	[tilespmem:s11+$0x0] =	vst v6  }
0x183: {  	v12 =	vld [tilespmem:s14+$0x10];
	[tilespmem:s11+$0x20] =	vst v7  }
0x184: {  	v11 =	vld [tilespmem:s14+$0xFFFFFFC0];
	[tilespmem:s11+$0xFFFFFFD0] =	vst v8;
	s11 =	smov.u32 s14  }
0x185: {  	v6 =	vld.idx.msk [tilespmem:v9+s25+$0x0], $0xffff  }
0x186: {  	v14 =	vld [tilespmem:s14+$0xFFFFFFE0]  }
0x187: {  	v7 =	vld [tilespmem:s14+$0x20]  }
.Ltmp14:
0x188: {  	v8 =	vld [tilespmem:s14+$0xFFFFFFD0];
	(pc) =	sbr.rel @p0 .LBB2_25-.Ltmp14, $3  }
0x189: {  	v9 =	vld [tilespmem:s14+$0x0];
	_ =	sdelay $0x1  }
0x18a: {  	v11 =	vmul.f32 v11, v6;
	v13 =	vmul.f32 v10, v6  }
0x18b: {  	v12 =	vmul.f32 v12, v6;
	v10 =	vmul.f32 v14, v6  }
0x18c: {  	[tilespmem:s11+$0x30] =	vst v13  }
0x18d: {  	[tilespmem:s11+$0xFFFFFFC0] =	vst v11  }
0x18e: {  	v5 =	vmul.f32 v5, v6;
	[tilespmem:s11+$0x10] =	vst v12  }
0x18f: {  	v7 =	vmul.f32 v7, v6;
	[tilespmem:s11+$0xFFFFFFE0] =	vst v10  }
0x190: {  	v9 =	vmul.f32 v9, v6;
	[tilespmem:s11+$0xFFFFFFF0] =	vst v5  }
0x191: {  	v5 =	vmul.f32 v8, v6;
	[tilespmem:s11+$0x20] =	vst v7  }
0x192: {  	s0 =	sadd.s32 $0x1, s0;
	[tilespmem:s11+$0x0] =	vst v9  }
0x193: {  	s9 =	sadd.s32 $0x8700, s9;
	p0 =	sne.s32 s0, $0x8;
	[tilespmem:s11+$0xFFFFFFD0] =	vst v5  }
0x194: {  	[spmem:s1] =	stream.indirect.scatter.add.f32 [tilespmem:s23], [sflag:$0x3], $0x80, s9, s22, $0xb8;
	[tilespmem:$0x1CC80] =	vst v63  }
.Ltmp15:
0x195: {  	_ = 	snop;
	(pc) =	sbr.rel @p0 .LBB2_22-.Ltmp15, $4  }
.Ltmp16:
0x196: {  	_ = 	snop;
	(pc) =	sbr.rel @!p0 .LBB2_27-.Ltmp16, $4  }
0x197: {  	_ =	swait.ge [sflag:s16], $0x4000  }
0x198: {  	[sflag:s16] =	ssyncset.done $0x0  }
0x199: {  	s5 =	sadd.s32 $0x100, s5;
	s12 =	sadd.s32 $0x100, s12;
	[sflag:s16] =	ssyncadd.s32 $0xFFFFC000  }
0x19a: {  	_ = 	snop  }
.LBB2_28:
0x19b: {  	[bflag:$0x0] =	sbarrier.arrive $0xFFFF  }
0x19c: {  	s13 =	rddreg [dreg:$0x7]  }
0x19d: {  	[tilespmem:s15], [sflag:$0x3] =	stream.linear.gather [spmem:s13], $0x1400, $0x38;
	[tilespmem:$0x1CC80] =	vst v63  }
0x19e: {  	_ =	swait.ge [sflag:s16], $0x1400  }
0x19f: {  	s0 =	rddreg [dreg:$0x5]  }
0x1a0: {  	p0 =	sne.s32 s0, $0x1  }
.Ltmp17:
0x1a1: {  	[sflag:s16] =	ssyncset.done $0x0;
	(pc) =	sbr.rel @!p0 .LBB2_30-.Ltmp17, $4  }
0x1a2: {  	s5 =	rddreg [dreg:$0x8];
	[sflag:s16] =	ssyncadd.s32 $0xFFFFEC00  }
0x1a3: {  	[hbm4b:s5+s2] =	stream.linear.scatter [tilespmem:s15], [sflag:$0x3], $0x1400, $0x38;
	[tilespmem:$0x1CC80] =	vst v63  }
0x1a4: {  	_ =	swait.ge [sflag:s16], $0x1400  }
0x1a5: {  	s9 =	smov.u32 s13;
	s0 =	sadd.s32 $0xFFFFFFFF, s0;
	[sflag:s16] =	ssyncset.done $0x0  }
.LBB2_29:
0x1a6: {  	[sflag:s16] =	ssyncadd.s32 $0xFFFFEC00;
	s5 =	sadd.s32 $0x2800, s5;
	s9 =	sadd.s32 $0x14000, s9  }
0x1a7: {  	[tilespmem:s15], [sflag:$0x3] =	stream.linear.gather [spmem:s9], $0x1400, $0x38;
	[tilespmem:$0x1CC80] =	vst v63  }
0x1a8: {  	p0 =	sne.s32 s0, $0x1;
	s0 =	sadd.s32 $0xFFFFFFFF, s0;
	_ =	swait.ge [sflag:s16], $0x1400  }
.Ltmp18:
0x1a9: {  	[sflag:s16] =	ssyncset.done $0x0;
	(pc) =	sbr.rel @p0 .LBB2_29-.Ltmp18, $4  }
0x1aa: {  	[sflag:s16] =	ssyncadd.s32 $0xFFFFEC00  }
0x1ab: {  	[hbm4b:s5+s2] =	stream.linear.scatter [tilespmem:s15], [sflag:$0x3], $0x1400, $0x38;
	[tilespmem:$0x1CC80] =	vst v63  }
0x1ac: {  	_ =	swait.ge [sflag:s16], $0x1400  }
0x1ad: {  	[sflag:s16] =	ssyncset.done $0x0  }
.LBB2_30:
0x1ae: {  	s5 =	rddreg [dreg:$0x9]  }
0x1af: {  	s0 =	rddreg [dreg:$0x6];
	s5 =	sadd.s32 $0x1, s5  }
0x1b0: {  	p0 =	sne.s32 s5, s0  }
.Ltmp19:
0x1b1: {  	_ = 	snop;
	(pc) =	sbr.rel @p0 .LBB2_1-.Ltmp19, $2  }
0x1b2: {  	_ =	sdelay $0x2  }
0x1b3: {  	[sflag:s16] =	ssyncadd.s32 $0xFFFFEC00  }
0x1b4: {  	_ =	sfence.sel $0x180000  }
0x1b5: {  	[bflag:$0x0] =	sbarrier.arrive $0xFFFF  }
0x1b6: {  	_ =	strace $0x90000047  }
0x1b7: {  	s0 =	stileid.u32;
	[bflag:$0x2] =	sbarrier.arrive $0xFFFF  }
0x1b8: {  	p0 =	sne.s32 s0, $0x0;
	s0 =	rddreg [dreg:$0x3]  }
0x1b9: {  	s0 =	sadd.s32 @!p0 $0x100000, s0  }
0x1ba: {  	[sflag:s0] =	ssyncadd.tile.s32 @!p0 $0x1;
	_ =	shalt  }
.Lfunc_end2:
_tile_overlayer_lowered:
.L_overlay_start_2:
0x1bb: {  	(tag) =	ssettag $0x2  }
0x1bc: {  	s0 =	rddreg [dreg:$0x0];
	s2 =	stileid.u32  }
0x1bd: {  	s1 =	rddreg [dreg:$0x1];
	p0 =	sne.s32 s2, $0x0  }
0x1be: {  	s3 =	rddreg [dreg:$0x2];
	[bflag:$0x3] =	sbarrier.arrive $0xFFFF;
	s2 =	simm.s32 @!p0 $0x1C03  }
0x1bf: {  	[timem:s3], [sflag:s2] =	dma.local @!p0 [hbm:s0], s1  }
0x1c0: {  	s0 =	simm.s32 @!p0 $0x3  }
0x1c1: {  	_ =	swait.ge @!p0 [sflag:s0], s1  }
0x1c2: {  	s1 =	ssub.s32 @!p0 $0x0, s1;
	[sflag:s0] =	ssyncset.done @!p0 $0x0  }
0x1c3: {  	[sflag:s0] =	ssyncadd.s32 @!p0 s1  }
0x1c4: {  	[bflag:$0x3] =	sbarrier.arrive $0xFFFF  }
0x1c5: {  	_ =	shalt  }

</sc_bundles>
